<compile_context>
chip_gen: v7x
topology: tpu7x:2x2x1
jax: 0.10.2.dev20260603
libtpu: 0.0.44.dev20260713+nightly
codegen_flags: <defaults>
</compile_context>

<pallas_src>
import functools

import jax
import jax.numpy as jnp
from jax import lax
from jax.experimental import pallas as pl
from jax.experimental.pallas import tpu as pltpu
from jax.experimental.pallas import tpu_sc as plsc

N = 50000
E = 1600000
IN_FEAT = 20
OUT_FEAT = 20
NUM_RELS = 500
NUM_BASES = 4
SUB = 5
HALF = 10

CHUNK = 128
NSUB = 16
K_CHUNKS = -(-E // (CHUNK * NSUB))
E_PAD = K_CHUNKS * CHUNK * NSUB
ROWS_PER_TILE = 3136
N_ACC = ROWS_PER_TILE * NSUB
STAGE = 392
XW = 32
AW = 16
WW = 56
BW = 16


def _splat(v):
    return jnp.full((16,), v, jnp.int32)


def _rgcn_sc_body(x_hbm, ed_hbm, w_hbm, b_hbm, gw_hbm, gb_hbm, part_hbm,
                  w_v, b_v, gw_v, gb_v, ed_v, xr_v, msg_v, stage_v, acc, sem):
    cid = lax.axis_index("c")
    sid = lax.axis_index("s")
    row0 = sid * ROWS_PER_TILE
    f0 = cid * HALF

    pltpu.sync_copy(w_hbm.at[cid], w_v)
    pltpu.sync_copy(b_hbm.at[cid], b_v)
    pltpu.sync_copy(gw_hbm, gw_v)
    pltpu.sync_copy(gb_hbm, gb_v)

    def _zero_stage(i, c):
        z = jnp.zeros((16,), jnp.float32)
        stage_v[i, pl.ds(0, 16)] = z
        return c
    lax.fori_loop(0, STAGE, _zero_stage, 0)

    def _zero_msg(i, c):
        msg_v[i, pl.ds(0, 16)] = jnp.zeros((16,), jnp.float32)
        return c
    lax.fori_loop(0, CHUNK, _zero_msg, 0)
    for s in range(ROWS_PER_TILE // STAGE):
        pltpu.sync_copy(stage_v, acc.at[pl.ds(row0 + s * STAGE, STAGE)])
    plsc.subcore_barrier()

    def chunk_body(k, c):
        base = (sid + NSUB * k) * CHUNK
        pltpu.sync_copy(ed_hbm.at[:, pl.ds(base, CHUNK)], ed_v)
        pltpu.async_copy(x_hbm.at[ed_v.at[0]], xr_v, sem).wait()

        def group_body(g, c2):
            e0 = g * 16
            rows = e0 + lax.iota(jnp.int32, 16)
            et = ed_v[2, pl.ds(e0, 16)]
            hs = [plsc.load_gather(xr_v, [rows, _splat(f) + f0])
                  for f in range(HALF)]
            ho = [plsc.load_gather(xr_v, [rows, _splat(f) + (HALF - f0)])
                  for f in range(HALF)]
            gacc = plsc.load_gather(gb_v, [et])
            for f in range(HALF):
                gacc = gacc + hs[f] * plsc.load_gather(
                    gw_v, [et, _splat(f) + f0])
                gacc = gacc + ho[f] * plsc.load_gather(
                    gw_v, [et, _splat(f) + (HALF - f0)])
            gate = 1.0 / (1.0 + jnp.exp(-gacc))
            for b in range(2):
                for j in range(SUB):
                    o = None
                    for i in range(SUB):
                        wv = plsc.load_gather(
                            w_v, [et, _splat(b * SUB * SUB + i * SUB + j)])
                        t = hs[b * SUB + i] * wv
                        o = t if o is None else o + t
                    o = o + plsc.load_gather(b_v, [et, _splat(b * SUB + j)])
                    o = gate * o
                    plsc.store_scatter(msg_v, [rows, _splat(b * SUB + j)], o)
            return c2
        lax.fori_loop(0, CHUNK // 16, group_body, 0)
        pltpu.sync_copy(msg_v, acc.at[ed_v.at[1]], add=True)
        return c
    lax.fori_loop(0, K_CHUNKS, chunk_body, 0)

    plsc.subcore_barrier()
    for s in range(ROWS_PER_TILE // STAGE):
        r = row0 + s * STAGE
        pltpu.sync_copy(acc.at[pl.ds(r, STAGE)], stage_v)
        pltpu.sync_copy(stage_v, part_hbm.at[cid, pl.ds(r, STAGE)])


_rgcn_sc = functools.partial(
    pl.kernel,
    out_type=jax.ShapeDtypeStruct((2, N_ACC, AW), jnp.float32),
    mesh=plsc.VectorSubcoreMesh(core_axis_name="c", subcore_axis_name="s"),
    scratch_types=[
        pltpu.VMEM((NUM_RELS, WW), jnp.float32),
        pltpu.VMEM((NUM_RELS, BW), jnp.float32),
        pltpu.VMEM((NUM_RELS, IN_FEAT), jnp.float32),
        pltpu.VMEM((NUM_RELS,), jnp.float32),
        pltpu.VMEM((3, CHUNK), jnp.int32),
        pltpu.VMEM((CHUNK, XW), jnp.float32),
        pltpu.VMEM((CHUNK, AW), jnp.float32),
        pltpu.VMEM((STAGE, AW), jnp.float32),
        pltpu.VMEM_SHARED((N_ACC, AW), jnp.float32),
        pltpu.SemaphoreType.DMA,
    ],
    compiler_params=pltpu.CompilerParams(
        needs_layout_passes=False, use_tc_tiling_on_sc=False),
)(_rgcn_sc_body)


def _cat_body(p0_ref, p1_ref, o_ref):
    o_ref[:, :HALF] = p0_ref[:, :HALF]
    o_ref[:, HALF:OUT_FEAT] = p1_ref[:, :HALF]


def _cat_partials(part):
    blk = 400
    return pl.pallas_call(
        _cat_body,
        grid=(N // blk,),
        in_specs=[
            pl.BlockSpec((blk, AW), lambda i: (i, 0)),
            pl.BlockSpec((blk, AW), lambda i: (i, 0)),
        ],
        out_specs=pl.BlockSpec((blk, OUT_FEAT), lambda i: (i, 0)),
        out_shape=jax.ShapeDtypeStruct((N, OUT_FEAT), jnp.float32),
    )(part[0, :N], part[1, :N])


@jax.jit
def kernel(x, edge_index, edge_type, weight, bias_term, gate_weight, gate_bias):
    pad = E_PAD - E
    src = jnp.pad(edge_index[0], (0, pad))
    dst = jnp.pad(edge_index[1], (0, pad), constant_values=N)
    et = jnp.pad(edge_type, (0, pad))
    ed = jnp.stack([src, dst, et])
    x_pad = jnp.pad(x, ((0, 0), (0, XW - IN_FEAT)))
    w4 = weight.reshape(NUM_RELS, NUM_BASES, SUB * SUB)
    w2 = jnp.stack([
        w4[:, 0:2].reshape(NUM_RELS, 2 * SUB * SUB),
        w4[:, 2:4].reshape(NUM_RELS, 2 * SUB * SUB),
    ])
    w2 = jnp.pad(w2, ((0, 0), (0, 0), (0, WW - 2 * SUB * SUB)))
    b2 = jnp.stack([bias_term[:, :HALF], bias_term[:, HALF:]])
    b2 = jnp.pad(b2, ((0, 0), (0, 0), (0, BW - HALF)))
    part = _rgcn_sc(x_pad, ed, w2, b2,
                    gate_weight.reshape(NUM_RELS, IN_FEAT),
                    gate_bias.reshape(NUM_RELS))
    return _cat_partials(part)

# --- scband reference (transcript-rebuilt; emitter-appended) ---
"""Pipeline reference for scband-rgcnblock-layer-10402410791332 (READ-ONLY COPY).

The authoritative reference and input builder live on the scoring server;
editing this copy changes nothing except your own understanding.
"""

import jax, jax.numpy as jnp
import numpy as np

N = 50000
E = 1600000
IN_FEAT = 20
OUT_FEAT = 20
NUM_RELS = 500
NUM_BASES = 4
SUBMAT_IN = IN_FEAT // NUM_BASES   # 5
SUBMAT_OUT = OUT_FEAT // NUM_BASES # 5


def setup_inputs(seed: int = 0) -> dict:
    key = jax.random.key(seed)
    ks = jax.random.split(key, 8)
    x = jax.random.normal(ks[0], (N, IN_FEAT), dtype=jnp.float32)
    edge_index = jax.random.randint(ks[1], (2, E), 0, N).astype(jnp.int32)
    edge_type = jax.random.randint(ks[2], (E,), 0, NUM_RELS).astype(jnp.int32)
    # learned parameters (xavier-ish scale)
    weight = jax.random.normal(ks[3], (NUM_RELS, NUM_BASES * SUBMAT_IN * SUBMAT_OUT), dtype=jnp.float32) * 0.3
    bias_term = jax.random.normal(ks[4], (NUM_RELS, OUT_FEAT), dtype=jnp.float32) * 0.1
    gate_weight = jax.random.normal(ks[5], (NUM_RELS, OUT_FEAT, 1), dtype=jnp.float32) * 0.3
    gate_bias = jax.random.normal(ks[6], (NUM_RELS, 1), dtype=jnp.float32) * 0.1
    return {"x": x, "edge_index": edge_index, "edge_type": edge_type,
            "weight": weight, "bias_term": bias_term,
            "gate_weight": gate_weight, "gate_bias": gate_bias}


def reference(x, edge_index, edge_type, weight, bias_term, gate_weight, gate_bias):
    src = edge_index[0]
    dst = edge_index[1]
    # gather source node features per edge
    h_src = jnp.take(x, src, axis=0)                                   # [E, 20]
    # per-edge block-diagonal relation weights
    w = jnp.take(weight, edge_type, axis=0).reshape(-1, SUBMAT_IN, SUBMAT_OUT)  # [E*B, 5, 5]
    node = h_src.reshape(-1, 1, SUBMAT_IN)                             # [E*B, 1, 5]
    full_node = h_src.reshape(-1, 1, 20)                               # [E, 1, 20]
    bias = jnp.take(bias_term, edge_type, axis=0)                      # [E, 20]
    gw = jnp.take(gate_weight, edge_type, axis=0)                      # [E, 20, 1]
    gb = jnp.take(gate_bias, edge_type, axis=0)                        # [E, 1]
    gate_score = jax.nn.sigmoid(jnp.matmul(full_node, gw).reshape(-1, 1) + gb)  # [E, 1]
    msg = gate_score * (jnp.matmul(node, w).reshape(-1, OUT_FEAT) + bias)       # [E, 20]
    # fn.sum(msg -> h): scatter-add messages into destination nodes
    node_repr = jax.ops.segment_sum(msg, dst, num_segments=N)          # [N, 20]
    # self_loop=False, activation=None -> node_repr is the output
    return node_repr

if __name__ == "__main__":
    import jax
    _d = setup_inputs()
    print(jax.jit(kernel)(*tuple(_d.values())))

</pallas_src>

<mosaic_0001>
#map = affine_map<(d0, d1) -> (0, 0)>
#map1 = affine_map<(d0, d1) -> (0, 0, 0)>
#map2 = affine_map<(d0, d1) -> (0)>
module attributes {stable_mosaic.version = 14 : i64} {
  func.func @_rgcn_sc_body(%arg0: i32, %arg1: i32, %arg2: memref<50000x32xf32, #tpu.memory_space<hbm>>, %arg3: memref<3x1601536xi32, #tpu.memory_space<hbm>>, %arg4: memref<2x500x56xf32, #tpu.memory_space<hbm>>, %arg5: memref<2x500x16xf32, #tpu.memory_space<hbm>>, %arg6: memref<500x20xf32, #tpu.memory_space<hbm>>, %arg7: memref<500xf32, #tpu.memory_space<hbm>>, %arg8: memref<2x50176x16xf32, #tpu.memory_space<hbm>>, %arg9: memref<500x56xf32, #tpu.memory_space<vmem>>, %arg10: memref<500x16xf32, #tpu.memory_space<vmem>>, %arg11: memref<500x20xf32, #tpu.memory_space<vmem>>, %arg12: memref<500xf32, #tpu.memory_space<vmem>>, %arg13: memref<3x128xi32, #tpu.memory_space<vmem>>, %arg14: memref<128x32xf32, #tpu.memory_space<vmem>>, %arg15: memref<128x16xf32, #tpu.memory_space<vmem>>, %arg16: memref<392x16xf32, #tpu.memory_space<vmem>>, %arg17: memref<50176x16xf32, #tpu.memory_space<vmem_shared>>, %arg18: memref<!tpu.dma_semaphore, #tpu.memory_space<semaphore_mem>>) attributes {dimension_semantics = [#tpu.dimension_semantics<core_parallel>, #tpu.dimension_semantics<subcore_parallel>], iteration_bounds = array<i64: 2, 16>, scalar_prefetch = 0 : i64, scratch_operands = 10 : i64, tpu.core_type = #tpu.core_type<sc_vector_subcore>, window_params = [{transform_indices = #map}, {transform_indices = #map}, {transform_indices = #map1}, {transform_indices = #map1}, {transform_indices = #map}, {transform_indices = #map2}, {transform_indices = #map1}]} {
    %mul3A = arith.constant 3136 : i32
    %mul3A_0 = arith.muli %arg1, %mul3A : i32
    %mul3A_1 = arith.constant 10 : i32
    %mul3A_2 = arith.muli %arg0, %mul3A_1 : i32
    "tpu.region"() ({
      %run_scoped3A = tpu.sem_alloc : memref<!tpu.dma_semaphore, #tpu.memory_space<semaphore_mem>>
      %dma_start3A = arith.constant 0 : i32
      %dma_start3A_52 = arith.constant 0 : i32
      %dma_start3A_53 = tpu.memref_slice %arg4[%arg0, %dma_start3A, %dma_start3A_52] : memref<2x500x56xf32, #tpu.memory_space<hbm>> -> memref<1x500x56xf32, #tpu.memory_space<hbm>>
      %dma_start3A_54 = tpu.memref_squeeze %dma_start3A_53 : memref<1x500x56xf32, #tpu.memory_space<hbm>> -> memref<500x56xf32, #tpu.memory_space<hbm>>
      %dma_start3A_55 = arith.constant 0 : i32
      %dma_start3A_56 = arith.constant 0 : i32
      %dma_start3A_57 = tpu.memref_slice %arg4[%arg0, %dma_start3A_55, %dma_start3A_56] : memref<2x500x56xf32, #tpu.memory_space<hbm>> -> memref<1x500x56xf32, #tpu.memory_space<hbm>>
      %dma_start3A_58 = tpu.memref_squeeze %dma_start3A_57 : memref<1x500x56xf32, #tpu.memory_space<hbm>> -> memref<500x56xf32, #tpu.memory_space<hbm>>
      tpu.enqueue_dma source(%dma_start3A_58 : memref<500x56xf32, #tpu.memory_space<hbm>>) target(%arg9 : memref<500x56xf32, #tpu.memory_space<vmem>>) target_semaphore(%run_scoped3A : memref<!tpu.dma_semaphore, #tpu.memory_space<semaphore_mem>>)
      %dma_wait3A = arith.constant 0 : i32
      %dma_wait3A_59 = arith.constant 0 : i32
      %dma_wait3A_60 = tpu.memref_slice %arg4[%arg0, %dma_wait3A, %dma_wait3A_59] : memref<2x500x56xf32, #tpu.memory_space<hbm>> -> memref<1x500x56xf32, #tpu.memory_space<hbm>>
      %dma_wait3A_61 = tpu.memref_squeeze %dma_wait3A_60 : memref<1x500x56xf32, #tpu.memory_space<hbm>> -> memref<500x56xf32, #tpu.memory_space<hbm>>
      %dma_wait3A_62 = arith.constant 0 : i32
      %dma_wait3A_63 = arith.constant 0 : i32
      %dma_wait3A_64 = tpu.memref_slice %arg4[%arg0, %dma_wait3A_62, %dma_wait3A_63] : memref<2x500x56xf32, #tpu.memory_space<hbm>> -> memref<1x500x56xf32, #tpu.memory_space<hbm>>
      %dma_wait3A_65 = tpu.memref_squeeze %dma_wait3A_64 : memref<1x500x56xf32, #tpu.memory_space<hbm>> -> memref<500x56xf32, #tpu.memory_space<hbm>>
      tpu.wait_dma2 semaphore(%run_scoped3A : memref<!tpu.dma_semaphore, #tpu.memory_space<semaphore_mem>>) src(%dma_wait3A_65 : memref<500x56xf32, #tpu.memory_space<hbm>>) dst(%arg9 : memref<500x56xf32, #tpu.memory_space<vmem>>)
      tpu.yield
    }) : () -> ()
    "tpu.region"() ({
      %run_scoped3A = tpu.sem_alloc : memref<!tpu.dma_semaphore, #tpu.memory_space<semaphore_mem>>
      %dma_start3A = arith.constant 0 : i32
      %dma_start3A_52 = arith.constant 0 : i32
      %dma_start3A_53 = tpu.memref_slice %arg5[%arg0, %dma_start3A, %dma_start3A_52] : memref<2x500x16xf32, #tpu.memory_space<hbm>> -> memref<1x500x16xf32, #tpu.memory_space<hbm>>
      %dma_start3A_54 = tpu.memref_squeeze %dma_start3A_53 : memref<1x500x16xf32, #tpu.memory_space<hbm>> -> memref<500x16xf32, #tpu.memory_space<hbm>>
      %dma_start3A_55 = arith.constant 0 : i32
      %dma_start3A_56 = arith.constant 0 : i32
      %dma_start3A_57 = tpu.memref_slice %arg5[%arg0, %dma_start3A_55, %dma_start3A_56] : memref<2x500x16xf32, #tpu.memory_space<hbm>> -> memref<1x500x16xf32, #tpu.memory_space<hbm>>
      %dma_start3A_58 = tpu.memref_squeeze %dma_start3A_57 : memref<1x500x16xf32, #tpu.memory_space<hbm>> -> memref<500x16xf32, #tpu.memory_space<hbm>>
      tpu.enqueue_dma source(%dma_start3A_58 : memref<500x16xf32, #tpu.memory_space<hbm>>) target(%arg10 : memref<500x16xf32, #tpu.memory_space<vmem>>) target_semaphore(%run_scoped3A : memref<!tpu.dma_semaphore, #tpu.memory_space<semaphore_mem>>)
      %dma_wait3A = arith.constant 0 : i32
      %dma_wait3A_59 = arith.constant 0 : i32
      %dma_wait3A_60 = tpu.memref_slice %arg5[%arg0, %dma_wait3A, %dma_wait3A_59] : memref<2x500x16xf32, #tpu.memory_space<hbm>> -> memref<1x500x16xf32, #tpu.memory_space<hbm>>
      %dma_wait3A_61 = tpu.memref_squeeze %dma_wait3A_60 : memref<1x500x16xf32, #tpu.memory_space<hbm>> -> memref<500x16xf32, #tpu.memory_space<hbm>>
      %dma_wait3A_62 = arith.constant 0 : i32
      %dma_wait3A_63 = arith.constant 0 : i32
      %dma_wait3A_64 = tpu.memref_slice %arg5[%arg0, %dma_wait3A_62, %dma_wait3A_63] : memref<2x500x16xf32, #tpu.memory_space<hbm>> -> memref<1x500x16xf32, #tpu.memory_space<hbm>>
      %dma_wait3A_65 = tpu.memref_squeeze %dma_wait3A_64 : memref<1x500x16xf32, #tpu.memory_space<hbm>> -> memref<500x16xf32, #tpu.memory_space<hbm>>
      tpu.wait_dma2 semaphore(%run_scoped3A : memref<!tpu.dma_semaphore, #tpu.memory_space<semaphore_mem>>) src(%dma_wait3A_65 : memref<500x16xf32, #tpu.memory_space<hbm>>) dst(%arg10 : memref<500x16xf32, #tpu.memory_space<vmem>>)
      tpu.yield
    }) : () -> ()
    "tpu.region"() ({
      %run_scoped3A = tpu.sem_alloc : memref<!tpu.dma_semaphore, #tpu.memory_space<semaphore_mem>>
      tpu.enqueue_dma source(%arg6 : memref<500x20xf32, #tpu.memory_space<hbm>>) target(%arg11 : memref<500x20xf32, #tpu.memory_space<vmem>>) target_semaphore(%run_scoped3A : memref<!tpu.dma_semaphore, #tpu.memory_space<semaphore_mem>>)
      tpu.wait_dma2 semaphore(%run_scoped3A : memref<!tpu.dma_semaphore, #tpu.memory_space<semaphore_mem>>) src(%arg6 : memref<500x20xf32, #tpu.memory_space<hbm>>) dst(%arg11 : memref<500x20xf32, #tpu.memory_space<vmem>>)
      tpu.yield
    }) : () -> ()
    "tpu.region"() ({
      %run_scoped3A = tpu.sem_alloc : memref<!tpu.dma_semaphore, #tpu.memory_space<semaphore_mem>>
      tpu.enqueue_dma source(%arg7 : memref<500xf32, #tpu.memory_space<hbm>>) target(%arg12 : memref<500xf32, #tpu.memory_space<vmem>>) target_semaphore(%run_scoped3A : memref<!tpu.dma_semaphore, #tpu.memory_space<semaphore_mem>>)
      tpu.wait_dma2 semaphore(%run_scoped3A : memref<!tpu.dma_semaphore, #tpu.memory_space<semaphore_mem>>) src(%arg7 : memref<500xf32, #tpu.memory_space<hbm>>) dst(%arg12 : memref<500xf32, #tpu.memory_space<vmem>>)
      tpu.yield
    }) : () -> ()
    %scan3A = arith.constant 0 : i32
    %scan3A_3 = arith.constant 0 : i32
    %scan3A_4 = arith.constant 392 : i32
    %scan3A_5 = arith.addi %scan3A_3, %scan3A_4 : i32
    %scan3A_6 = arith.constant 1 : i32
    scf.for %scan3A_52 = %scan3A_3 to %scan3A_5 step %scan3A_6  : i32 {
      %broadcast_in_dim3A = arith.constant 0.000000e+00 : f32
      %broadcast_in_dim3A_53 = vector.broadcast %broadcast_in_dim3A : f32 to vector<16xf32>
      %swap3A = arith.index_cast %scan3A_52 : i32 to index
      %swap3A_54 = arith.constant 0 : index
      %swap3A_55 = tpu.vector_load %arg16[%swap3A, %swap3A_54] {strides = array<i32>} : memref<392x16xf32, #tpu.memory_space<vmem>>, vector<16xf32>,
      tpu.vector_store %arg16[%swap3A, %swap3A_54], %broadcast_in_dim3A_53 {strides = array<i32>} : memref<392x16xf32, #tpu.memory_space<vmem>>, vector<16xf32>,
    }
    %scan3A_7 = arith.constant 392 : i32
    %scan3A_8 = arith.constant 0 : i32
    %scan3A_9 = arith.constant 0 : i32
    %scan3A_10 = arith.constant 128 : i32
    %scan3A_11 = arith.addi %scan3A_9, %scan3A_10 : i32
    %scan3A_12 = arith.constant 1 : i32
    scf.for %scan3A_52 = %scan3A_9 to %scan3A_11 step %scan3A_12  : i32 {
      %broadcast_in_dim3A = arith.constant 0.000000e+00 : f32
      %broadcast_in_dim3A_53 = vector.broadcast %broadcast_in_dim3A : f32 to vector<16xf32>
      %swap3A = arith.index_cast %scan3A_52 : i32 to index
      %swap3A_54 = arith.constant 0 : index
      %swap3A_55 = tpu.vector_load %arg15[%swap3A, %swap3A_54] {strides = array<i32>} : memref<128x16xf32, #tpu.memory_space<vmem>>, vector<16xf32>,
      tpu.vector_store %arg15[%swap3A, %swap3A_54], %broadcast_in_dim3A_53 {strides = array<i32>} : memref<128x16xf32, #tpu.memory_space<vmem>>, vector<16xf32>,
    }
    %scan3A_13 = arith.constant 128 : i32
    %add3A = arith.constant 0 : i32
    %add3A_14 = arith.addi %mul3A_0, %add3A : i32
    "tpu.region"() ({
      %run_scoped3A = tpu.sem_alloc : memref<!tpu.dma_semaphore, #tpu.memory_space<semaphore_mem>>
      %dma_start3A = arith.constant 0 : i32
      %dma_start3A_52 = tpu.memref_slice %arg17[%add3A_14, %dma_start3A] : memref<50176x16xf32, #tpu.memory_space<vmem_shared>> -> memref<392x16xf32, #tpu.memory_space<vmem_shared>>
      %dma_start3A_53 = arith.constant 0 : i32
      %dma_start3A_54 = tpu.memref_slice %arg17[%add3A_14, %dma_start3A_53] : memref<50176x16xf32, #tpu.memory_space<vmem_shared>> -> memref<392x16xf32, #tpu.memory_space<vmem_shared>>
      tpu.enqueue_dma source(%arg16 : memref<392x16xf32, #tpu.memory_space<vmem>>) target(%dma_start3A_54 : memref<392x16xf32, #tpu.memory_space<vmem_shared>>) target_semaphore(%run_scoped3A : memref<!tpu.dma_semaphore, #tpu.memory_space<semaphore_mem>>)
      %dma_wait3A = arith.constant 0 : i32
      %dma_wait3A_55 = tpu.memref_slice %arg17[%add3A_14, %dma_wait3A] : memref<50176x16xf32, #tpu.memory_space<vmem_shared>> -> memref<392x16xf32, #tpu.memory_space<vmem_shared>>
      %dma_wait3A_56 = arith.constant 0 : i32
      %dma_wait3A_57 = tpu.memref_slice %arg17[%add3A_14, %dma_wait3A_56] : memref<50176x16xf32, #tpu.memory_space<vmem_shared>> -> memref<392x16xf32, #tpu.memory_space<vmem_shared>>
      tpu.wait_dma2 semaphore(%run_scoped3A : memref<!tpu.dma_semaphore, #tpu.memory_space<semaphore_mem>>) src(%arg16 : memref<392x16xf32, #tpu.memory_space<vmem>>) dst(%dma_wait3A_57 : memref<392x16xf32, #tpu.memory_space<vmem_shared>>)
      tpu.yield
    }) : () -> ()
    %add3A_15 = arith.constant 392 : i32
    %add3A_16 = arith.addi %mul3A_0, %add3A_15 : i32
    "tpu.region"() ({
      %run_scoped3A = tpu.sem_alloc : memref<!tpu.dma_semaphore, #tpu.memory_space<semaphore_mem>>
      %dma_start3A = arith.constant 0 : i32
      %dma_start3A_52 = tpu.memref_slice %arg17[%add3A_16, %dma_start3A] : memref<50176x16xf32, #tpu.memory_space<vmem_shared>> -> memref<392x16xf32, #tpu.memory_space<vmem_shared>>
      %dma_start3A_53 = arith.constant 0 : i32
      %dma_start3A_54 = tpu.memref_slice %arg17[%add3A_16, %dma_start3A_53] : memref<50176x16xf32, #tpu.memory_space<vmem_shared>> -> memref<392x16xf32, #tpu.memory_space<vmem_shared>>
      tpu.enqueue_dma source(%arg16 : memref<392x16xf32, #tpu.memory_space<vmem>>) target(%dma_start3A_54 : memref<392x16xf32, #tpu.memory_space<vmem_shared>>) target_semaphore(%run_scoped3A : memref<!tpu.dma_semaphore, #tpu.memory_space<semaphore_mem>>)
      %dma_wait3A = arith.constant 0 : i32
      %dma_wait3A_55 = tpu.memref_slice %arg17[%add3A_16, %dma_wait3A] : memref<50176x16xf32, #tpu.memory_space<vmem_shared>> -> memref<392x16xf32, #tpu.memory_space<vmem_shared>>
      %dma_wait3A_56 = arith.constant 0 : i32
      %dma_wait3A_57 = tpu.memref_slice %arg17[%add3A_16, %dma_wait3A_56] : memref<50176x16xf32, #tpu.memory_space<vmem_shared>> -> memref<392x16xf32, #tpu.memory_space<vmem_shared>>
      tpu.wait_dma2 semaphore(%run_scoped3A : memref<!tpu.dma_semaphore, #tpu.memory_space<semaphore_mem>>) src(%arg16 : memref<392x16xf32, #tpu.memory_space<vmem>>) dst(%dma_wait3A_57 : memref<392x16xf32, #tpu.memory_space<vmem_shared>>)
      tpu.yield
    }) : () -> ()
    %add3A_17 = arith.constant 784 : i32
    %add3A_18 = arith.addi %mul3A_0, %add3A_17 : i32
    "tpu.region"() ({
      %run_scoped3A = tpu.sem_alloc : memref<!tpu.dma_semaphore, #tpu.memory_space<semaphore_mem>>
      %dma_start3A = arith.constant 0 : i32
      %dma_start3A_52 = tpu.memref_slice %arg17[%add3A_18, %dma_start3A] : memref<50176x16xf32, #tpu.memory_space<vmem_shared>> -> memref<392x16xf32, #tpu.memory_space<vmem_shared>>
      %dma_start3A_53 = arith.constant 0 : i32
      %dma_start3A_54 = tpu.memref_slice %arg17[%add3A_18, %dma_start3A_53] : memref<50176x16xf32, #tpu.memory_space<vmem_shared>> -> memref<392x16xf32, #tpu.memory_space<vmem_shared>>
      tpu.enqueue_dma source(%arg16 : memref<392x16xf32, #tpu.memory_space<vmem>>) target(%dma_start3A_54 : memref<392x16xf32, #tpu.memory_space<vmem_shared>>) target_semaphore(%run_scoped3A : memref<!tpu.dma_semaphore, #tpu.memory_space<semaphore_mem>>)
      %dma_wait3A = arith.constant 0 : i32
      %dma_wait3A_55 = tpu.memref_slice %arg17[%add3A_18, %dma_wait3A] : memref<50176x16xf32, #tpu.memory_space<vmem_shared>> -> memref<392x16xf32, #tpu.memory_space<vmem_shared>>
      %dma_wait3A_56 = arith.constant 0 : i32
      %dma_wait3A_57 = tpu.memref_slice %arg17[%add3A_18, %dma_wait3A_56] : memref<50176x16xf32, #tpu.memory_space<vmem_shared>> -> memref<392x16xf32, #tpu.memory_space<vmem_shared>>
      tpu.wait_dma2 semaphore(%run_scoped3A : memref<!tpu.dma_semaphore, #tpu.memory_space<semaphore_mem>>) src(%arg16 : memref<392x16xf32, #tpu.memory_space<vmem>>) dst(%dma_wait3A_57 : memref<392x16xf32, #tpu.memory_space<vmem_shared>>)
      tpu.yield
    }) : () -> ()
    %add3A_19 = arith.constant 1176 : i32
    %add3A_20 = arith.addi %mul3A_0, %add3A_19 : i32
    "tpu.region"() ({
      %run_scoped3A = tpu.sem_alloc : memref<!tpu.dma_semaphore, #tpu.memory_space<semaphore_mem>>
      %dma_start3A = arith.constant 0 : i32
      %dma_start3A_52 = tpu.memref_slice %arg17[%add3A_20, %dma_start3A] : memref<50176x16xf32, #tpu.memory_space<vmem_shared>> -> memref<392x16xf32, #tpu.memory_space<vmem_shared>>
      %dma_start3A_53 = arith.constant 0 : i32
      %dma_start3A_54 = tpu.memref_slice %arg17[%add3A_20, %dma_start3A_53] : memref<50176x16xf32, #tpu.memory_space<vmem_shared>> -> memref<392x16xf32, #tpu.memory_space<vmem_shared>>
      tpu.enqueue_dma source(%arg16 : memref<392x16xf32, #tpu.memory_space<vmem>>) target(%dma_start3A_54 : memref<392x16xf32, #tpu.memory_space<vmem_shared>>) target_semaphore(%run_scoped3A : memref<!tpu.dma_semaphore, #tpu.memory_space<semaphore_mem>>)
      %dma_wait3A = arith.constant 0 : i32
      %dma_wait3A_55 = tpu.memref_slice %arg17[%add3A_20, %dma_wait3A] : memref<50176x16xf32, #tpu.memory_space<vmem_shared>> -> memref<392x16xf32, #tpu.memory_space<vmem_shared>>
      %dma_wait3A_56 = arith.constant 0 : i32
      %dma_wait3A_57 = tpu.memref_slice %arg17[%add3A_20, %dma_wait3A_56] : memref<50176x16xf32, #tpu.memory_space<vmem_shared>> -> memref<392x16xf32, #tpu.memory_space<vmem_shared>>
      tpu.wait_dma2 semaphore(%run_scoped3A : memref<!tpu.dma_semaphore, #tpu.memory_space<semaphore_mem>>) src(%arg16 : memref<392x16xf32, #tpu.memory_space<vmem>>) dst(%dma_wait3A_57 : memref<392x16xf32, #tpu.memory_space<vmem_shared>>)
      tpu.yield
    }) : () -> ()
    %add3A_21 = arith.constant 1568 : i32
    %add3A_22 = arith.addi %mul3A_0, %add3A_21 : i32
    "tpu.region"() ({
      %run_scoped3A = tpu.sem_alloc : memref<!tpu.dma_semaphore, #tpu.memory_space<semaphore_mem>>
      %dma_start3A = arith.constant 0 : i32
      %dma_start3A_52 = tpu.memref_slice %arg17[%add3A_22, %dma_start3A] : memref<50176x16xf32, #tpu.memory_space<vmem_shared>> -> memref<392x16xf32, #tpu.memory_space<vmem_shared>>
      %dma_start3A_53 = arith.constant 0 : i32
      %dma_start3A_54 = tpu.memref_slice %arg17[%add3A_22, %dma_start3A_53] : memref<50176x16xf32, #tpu.memory_space<vmem_shared>> -> memref<392x16xf32, #tpu.memory_space<vmem_shared>>
      tpu.enqueue_dma source(%arg16 : memref<392x16xf32, #tpu.memory_space<vmem>>) target(%dma_start3A_54 : memref<392x16xf32, #tpu.memory_space<vmem_shared>>) target_semaphore(%run_scoped3A : memref<!tpu.dma_semaphore, #tpu.memory_space<semaphore_mem>>)
      %dma_wait3A = arith.constant 0 : i32
      %dma_wait3A_55 = tpu.memref_slice %arg17[%add3A_22, %dma_wait3A] : memref<50176x16xf32, #tpu.memory_space<vmem_shared>> -> memref<392x16xf32, #tpu.memory_space<vmem_shared>>
      %dma_wait3A_56 = arith.constant 0 : i32
      %dma_wait3A_57 = tpu.memref_slice %arg17[%add3A_22, %dma_wait3A_56] : memref<50176x16xf32, #tpu.memory_space<vmem_shared>> -> memref<392x16xf32, #tpu.memory_space<vmem_shared>>
      tpu.wait_dma2 semaphore(%run_scoped3A : memref<!tpu.dma_semaphore, #tpu.memory_space<semaphore_mem>>) src(%arg16 : memref<392x16xf32, #tpu.memory_space<vmem>>) dst(%dma_wait3A_57 : memref<392x16xf32, #tpu.memory_space<vmem_shared>>)
      tpu.yield
    }) : () -> ()
    %add3A_23 = arith.constant 1960 : i32
    %add3A_24 = arith.addi %mul3A_0, %add3A_23 : i32
    "tpu.region"() ({
      %run_scoped3A = tpu.sem_alloc : memref<!tpu.dma_semaphore, #tpu.memory_space<semaphore_mem>>
      %dma_start3A = arith.constant 0 : i32
      %dma_start3A_52 = tpu.memref_slice %arg17[%add3A_24, %dma_start3A] : memref<50176x16xf32, #tpu.memory_space<vmem_shared>> -> memref<392x16xf32, #tpu.memory_space<vmem_shared>>
      %dma_start3A_53 = arith.constant 0 : i32
      %dma_start3A_54 = tpu.memref_slice %arg17[%add3A_24, %dma_start3A_53] : memref<50176x16xf32, #tpu.memory_space<vmem_shared>> -> memref<392x16xf32, #tpu.memory_space<vmem_shared>>
      tpu.enqueue_dma source(%arg16 : memref<392x16xf32, #tpu.memory_space<vmem>>) target(%dma_start3A_54 : memref<392x16xf32, #tpu.memory_space<vmem_shared>>) target_semaphore(%run_scoped3A : memref<!tpu.dma_semaphore, #tpu.memory_space<semaphore_mem>>)
      %dma_wait3A = arith.constant 0 : i32
      %dma_wait3A_55 = tpu.memref_slice %arg17[%add3A_24, %dma_wait3A] : memref<50176x16xf32, #tpu.memory_space<vmem_shared>> -> memref<392x16xf32, #tpu.memory_space<vmem_shared>>
      %dma_wait3A_56 = arith.constant 0 : i32
      %dma_wait3A_57 = tpu.memref_slice %arg17[%add3A_24, %dma_wait3A_56] : memref<50176x16xf32, #tpu.memory_space<vmem_shared>> -> memref<392x16xf32, #tpu.memory_space<vmem_shared>>
      tpu.wait_dma2 semaphore(%run_scoped3A : memref<!tpu.dma_semaphore, #tpu.memory_space<semaphore_mem>>) src(%arg16 : memref<392x16xf32, #tpu.memory_space<vmem>>) dst(%dma_wait3A_57 : memref<392x16xf32, #tpu.memory_space<vmem_shared>>)
      tpu.yield
    }) : () -> ()
    %add3A_25 = arith.constant 2352 : i32
    %add3A_26 = arith.addi %mul3A_0, %add3A_25 : i32
    "tpu.region"() ({
      %run_scoped3A = tpu.sem_alloc : memref<!tpu.dma_semaphore, #tpu.memory_space<semaphore_mem>>
      %dma_start3A = arith.constant 0 : i32
      %dma_start3A_52 = tpu.memref_slice %arg17[%add3A_26, %dma_start3A] : memref<50176x16xf32, #tpu.memory_space<vmem_shared>> -> memref<392x16xf32, #tpu.memory_space<vmem_shared>>
      %dma_start3A_53 = arith.constant 0 : i32
      %dma_start3A_54 = tpu.memref_slice %arg17[%add3A_26, %dma_start3A_53] : memref<50176x16xf32, #tpu.memory_space<vmem_shared>> -> memref<392x16xf32, #tpu.memory_space<vmem_shared>>
      tpu.enqueue_dma source(%arg16 : memref<392x16xf32, #tpu.memory_space<vmem>>) target(%dma_start3A_54 : memref<392x16xf32, #tpu.memory_space<vmem_shared>>) target_semaphore(%run_scoped3A : memref<!tpu.dma_semaphore, #tpu.memory_space<semaphore_mem>>)
      %dma_wait3A = arith.constant 0 : i32
      %dma_wait3A_55 = tpu.memref_slice %arg17[%add3A_26, %dma_wait3A] : memref<50176x16xf32, #tpu.memory_space<vmem_shared>> -> memref<392x16xf32, #tpu.memory_space<vmem_shared>>
      %dma_wait3A_56 = arith.constant 0 : i32
      %dma_wait3A_57 = tpu.memref_slice %arg17[%add3A_26, %dma_wait3A_56] : memref<50176x16xf32, #tpu.memory_space<vmem_shared>> -> memref<392x16xf32, #tpu.memory_space<vmem_shared>>
      tpu.wait_dma2 semaphore(%run_scoped3A : memref<!tpu.dma_semaphore, #tpu.memory_space<semaphore_mem>>) src(%arg16 : memref<392x16xf32, #tpu.memory_space<vmem>>) dst(%dma_wait3A_57 : memref<392x16xf32, #tpu.memory_space<vmem_shared>>)
      tpu.yield
    }) : () -> ()
    %add3A_27 = arith.constant 2744 : i32
    %add3A_28 = arith.addi %mul3A_0, %add3A_27 : i32
    "tpu.region"() ({
      %run_scoped3A = tpu.sem_alloc : memref<!tpu.dma_semaphore, #tpu.memory_space<semaphore_mem>>
      %dma_start3A = arith.constant 0 : i32
      %dma_start3A_52 = tpu.memref_slice %arg17[%add3A_28, %dma_start3A] : memref<50176x16xf32, #tpu.memory_space<vmem_shared>> -> memref<392x16xf32, #tpu.memory_space<vmem_shared>>
      %dma_start3A_53 = arith.constant 0 : i32
      %dma_start3A_54 = tpu.memref_slice %arg17[%add3A_28, %dma_start3A_53] : memref<50176x16xf32, #tpu.memory_space<vmem_shared>> -> memref<392x16xf32, #tpu.memory_space<vmem_shared>>
      tpu.enqueue_dma source(%arg16 : memref<392x16xf32, #tpu.memory_space<vmem>>) target(%dma_start3A_54 : memref<392x16xf32, #tpu.memory_space<vmem_shared>>) target_semaphore(%run_scoped3A : memref<!tpu.dma_semaphore, #tpu.memory_space<semaphore_mem>>)
      %dma_wait3A = arith.constant 0 : i32
      %dma_wait3A_55 = tpu.memref_slice %arg17[%add3A_28, %dma_wait3A] : memref<50176x16xf32, #tpu.memory_space<vmem_shared>> -> memref<392x16xf32, #tpu.memory_space<vmem_shared>>
      %dma_wait3A_56 = arith.constant 0 : i32
      %dma_wait3A_57 = tpu.memref_slice %arg17[%add3A_28, %dma_wait3A_56] : memref<50176x16xf32, #tpu.memory_space<vmem_shared>> -> memref<392x16xf32, #tpu.memory_space<vmem_shared>>
      tpu.wait_dma2 semaphore(%run_scoped3A : memref<!tpu.dma_semaphore, #tpu.memory_space<semaphore_mem>>) src(%arg16 : memref<392x16xf32, #tpu.memory_space<vmem>>) dst(%dma_wait3A_57 : memref<392x16xf32, #tpu.memory_space<vmem_shared>>)
      tpu.yield
    }) : () -> ()
    %barrier3A = arith.constant 0 : index
    tpu.barrier barrier_id(%barrier3A)
    %scan3A_29 = arith.constant 0 : i32
    %scan3A_30 = arith.constant 0 : i32
    %scan3A_31 = arith.constant 782 : i32
    %scan3A_32 = arith.addi %scan3A_30, %scan3A_31 : i32
    %scan3A_33 = arith.constant 1 : i32
    scf.for %scan3A_52 = %scan3A_30 to %scan3A_32 step %scan3A_33  : i32 {
      %mul3A_53 = arith.constant 16 : i32
      %mul3A_54 = arith.muli %mul3A_53, %scan3A_52 : i32
      %add3A_55 = arith.addi %arg1, %mul3A_54 : i32
      %mul3A_56 = arith.constant 128 : i32
      %mul3A_57 = arith.muli %add3A_55, %mul3A_56 : i32
      "tpu.region"() ({
        %run_scoped3A_76 = tpu.sem_alloc : memref<!tpu.dma_semaphore, #tpu.memory_space<semaphore_mem>>
        %dma_start3A_77 = arith.constant 0 : i32
        %dma_start3A_78 = tpu.memref_slice %arg3[%dma_start3A_77, %mul3A_57] : memref<3x1601536xi32, #tpu.memory_space<hbm>> -> memref<3x128xi32, #tpu.memory_space<hbm>>
        %dma_start3A_79 = arith.constant 0 : i32
        %dma_start3A_80 = tpu.memref_slice %arg3[%dma_start3A_79, %mul3A_57] : memref<3x1601536xi32, #tpu.memory_space<hbm>> -> memref<3x128xi32, #tpu.memory_space<hbm>>
        tpu.enqueue_dma source(%dma_start3A_80 : memref<3x128xi32, #tpu.memory_space<hbm>>) target(%arg13 : memref<3x128xi32, #tpu.memory_space<vmem>>) target_semaphore(%run_scoped3A_76 : memref<!tpu.dma_semaphore, #tpu.memory_space<semaphore_mem>>)
        %dma_wait3A_81 = arith.constant 0 : i32
        %dma_wait3A_82 = tpu.memref_slice %arg3[%dma_wait3A_81, %mul3A_57] : memref<3x1601536xi32, #tpu.memory_space<hbm>> -> memref<3x128xi32, #tpu.memory_space<hbm>>
        %dma_wait3A_83 = arith.constant 0 : i32
        %dma_wait3A_84 = tpu.memref_slice %arg3[%dma_wait3A_83, %mul3A_57] : memref<3x1601536xi32, #tpu.memory_space<hbm>> -> memref<3x128xi32, #tpu.memory_space<hbm>>
        tpu.wait_dma2 semaphore(%run_scoped3A_76 : memref<!tpu.dma_semaphore, #tpu.memory_space<semaphore_mem>>) src(%dma_wait3A_84 : memref<3x128xi32, #tpu.memory_space<hbm>>) dst(%arg13 : memref<3x128xi32, #tpu.memory_space<vmem>>)
        tpu.yield
      }) : () -> ()
      %dma_start3A = arith.constant 0 : i32
      %dma_start3A_58 = arith.constant 0 : i32
      %dma_start3A_59 = tpu.memref_slice %arg13[%dma_start3A, %dma_start3A_58] : memref<3x128xi32, #tpu.memory_space<vmem>> -> memref<1x128xi32, #tpu.memory_space<vmem>>
      %dma_start3A_60 = tpu.memref_squeeze %dma_start3A_59 : memref<1x128xi32, #tpu.memory_space<vmem>> -> memref<128xi32, #tpu.memory_space<vmem>>
      %dma_start3A_61 = arith.constant 0 : i32
      %dma_start3A_62 = arith.constant 0 : i32
      %dma_start3A_63 = tpu.memref_slice %arg2[%dma_start3A_61, %dma_start3A_62] : memref<50000x32xf32, #tpu.memory_space<hbm>> -> memref<50000x32xf32, #tpu.memory_space<hbm>>
      tpu.enqueue_indirect_dma source(%dma_start3A_63 : memref<50000x32xf32, #tpu.memory_space<hbm>>) target(%arg14 : memref<128x32xf32, #tpu.memory_space<vmem>>) offsets(%dma_start3A_60 : memref<128xi32, #tpu.memory_space<vmem>>) semaphore(%arg18 : memref<!tpu.dma_semaphore, #tpu.memory_space<semaphore_mem>>)
      %dma_wait3A = arith.constant 0 : i32
      %dma_wait3A_64 = arith.constant 0 : i32
      %dma_wait3A_65 = tpu.memref_slice %arg13[%dma_wait3A, %dma_wait3A_64] : memref<3x128xi32, #tpu.memory_space<vmem>> -> memref<1x128xi32, #tpu.memory_space<vmem>>
      %dma_wait3A_66 = tpu.memref_squeeze %dma_wait3A_65 : memref<1x128xi32, #tpu.memory_space<vmem>> -> memref<128xi32, #tpu.memory_space<vmem>>
      %dma_wait3A_67 = arith.constant 0 : i32
      %dma_wait3A_68 = arith.constant 0 : i32
      %dma_wait3A_69 = tpu.memref_slice %arg2[%dma_wait3A_67, %dma_wait3A_68] : memref<50000x32xf32, #tpu.memory_space<hbm>> -> memref<50000x32xf32, #tpu.memory_space<hbm>>
      tpu.wait_indirect_dma semaphore(%arg18 : memref<!tpu.dma_semaphore, #tpu.memory_space<semaphore_mem>>) src(%dma_wait3A_69 : memref<50000x32xf32, #tpu.memory_space<hbm>>) dst(%arg14 : memref<128x32xf32, #tpu.memory_space<vmem>>)
      %scan3A_70 = arith.constant 0 : i32
      %scan3A_71 = arith.constant 0 : i32
      %scan3A_72 = arith.constant 8 : i32
      %scan3A_73 = arith.addi %scan3A_71, %scan3A_72 : i32
      %scan3A_74 = arith.constant 1 : i32
      scf.for %scan3A_76 = %scan3A_71 to %scan3A_73 step %scan3A_74  : i32 {
        %mul3A_77 = arith.constant 16 : i32
        %mul3A_78 = arith.muli %scan3A_76, %mul3A_77 : i32
        %iota3A = tpu.iota {dimensions = array<i32: 0>} : vector<16xi32>
        %add3A_79 = vector.broadcast %mul3A_78 : i32 to vector<16xi32>
        %add3A_80 = arith.addi %add3A_79, %iota3A : vector<16xi32>
        %get3A = arith.constant 2 : i32
        %get3A_81 = arith.index_cast %get3A : i32 to index
        %get3A_82 = arith.index_cast %mul3A_78 : i32 to index
        %get3A_83 = tpu.vector_load %arg13[%get3A_81, %get3A_82] {strides = array<i32>} : memref<3x128xi32, #tpu.memory_space<vmem>>, vector<16xi32>,
        %broadcast_in_dim3A = arith.constant 0 : i32
        %broadcast_in_dim3A_84 = vector.broadcast %broadcast_in_dim3A : i32 to vector<16xi32>
        %add3A_85 = vector.broadcast %mul3A_2 : i32 to vector<16xi32>
        %add3A_86 = arith.addi %broadcast_in_dim3A_84, %add3A_85 : vector<16xi32>
        %gather3A = tpu.vector_load_idx %arg14[%add3A_80, %add3A_86] : memref<128x32xf32, #tpu.memory_space<vmem>>[vector<16xi32>, vector<16xi32>], vector<16xf32>,
        %broadcast_in_dim3A_87 = arith.constant 1 : i32
        %broadcast_in_dim3A_88 = vector.broadcast %broadcast_in_dim3A_87 : i32 to vector<16xi32>
        %add3A_89 = vector.broadcast %mul3A_2 : i32 to vector<16xi32>
        %add3A_90 = arith.addi %broadcast_in_dim3A_88, %add3A_89 : vector<16xi32>
        %gather3A_91 = tpu.vector_load_idx %arg14[%add3A_80, %add3A_90] : memref<128x32xf32, #tpu.memory_space<vmem>>[vector<16xi32>, vector<16xi32>], vector<16xf32>,
        %broadcast_in_dim3A_92 = arith.constant 2 : i32
        %broadcast_in_dim3A_93 = vector.broadcast %broadcast_in_dim3A_92 : i32 to vector<16xi32>
        %add3A_94 = vector.broadcast %mul3A_2 : i32 to vector<16xi32>
        %add3A_95 = arith.addi %broadcast_in_dim3A_93, %add3A_94 : vector<16xi32>
        %gather3A_96 = tpu.vector_load_idx %arg14[%add3A_80, %add3A_95] : memref<128x32xf32, #tpu.memory_space<vmem>>[vector<16xi32>, vector<16xi32>], vector<16xf32>,
        %broadcast_in_dim3A_97 = arith.constant 3 : i32
        %broadcast_in_dim3A_98 = vector.broadcast %broadcast_in_dim3A_97 : i32 to vector<16xi32>
        %add3A_99 = vector.broadcast %mul3A_2 : i32 to vector<16xi32>
        %add3A_100 = arith.addi %broadcast_in_dim3A_98, %add3A_99 : vector<16xi32>
        %gather3A_101 = tpu.vector_load_idx %arg14[%add3A_80, %add3A_100] : memref<128x32xf32, #tpu.memory_space<vmem>>[vector<16xi32>, vector<16xi32>], vector<16xf32>,
        %broadcast_in_dim3A_102 = arith.constant 4 : i32
        %broadcast_in_dim3A_103 = vector.broadcast %broadcast_in_dim3A_102 : i32 to vector<16xi32>
        %add3A_104 = vector.broadcast %mul3A_2 : i32 to vector<16xi32>
        %add3A_105 = arith.addi %broadcast_in_dim3A_103, %add3A_104 : vector<16xi32>
        %gather3A_106 = tpu.vector_load_idx %arg14[%add3A_80, %add3A_105] : memref<128x32xf32, #tpu.memory_space<vmem>>[vector<16xi32>, vector<16xi32>], vector<16xf32>,
        %broadcast_in_dim3A_107 = arith.constant 5 : i32
        %broadcast_in_dim3A_108 = vector.broadcast %broadcast_in_dim3A_107 : i32 to vector<16xi32>
        %add3A_109 = vector.broadcast %mul3A_2 : i32 to vector<16xi32>
        %add3A_110 = arith.addi %broadcast_in_dim3A_108, %add3A_109 : vector<16xi32>
        %gather3A_111 = tpu.vector_load_idx %arg14[%add3A_80, %add3A_110] : memref<128x32xf32, #tpu.memory_space<vmem>>[vector<16xi32>, vector<16xi32>], vector<16xf32>,
        %broadcast_in_dim3A_112 = arith.constant 6 : i32
        %broadcast_in_dim3A_113 = vector.broadcast %broadcast_in_dim3A_112 : i32 to vector<16xi32>
        %add3A_114 = vector.broadcast %mul3A_2 : i32 to vector<16xi32>
        %add3A_115 = arith.addi %broadcast_in_dim3A_113, %add3A_114 : vector<16xi32>
        %gather3A_116 = tpu.vector_load_idx %arg14[%add3A_80, %add3A_115] : memref<128x32xf32, #tpu.memory_space<vmem>>[vector<16xi32>, vector<16xi32>], vector<16xf32>,
        %broadcast_in_dim3A_117 = arith.constant 7 : i32
        %broadcast_in_dim3A_118 = vector.broadcast %broadcast_in_dim3A_117 : i32 to vector<16xi32>
        %add3A_119 = vector.broadcast %mul3A_2 : i32 to vector<16xi32>
        %add3A_120 = arith.addi %broadcast_in_dim3A_118, %add3A_119 : vector<16xi32>
        %gather3A_121 = tpu.vector_load_idx %arg14[%add3A_80, %add3A_120] : memref<128x32xf32, #tpu.memory_space<vmem>>[vector<16xi32>, vector<16xi32>], vector<16xf32>,
        %broadcast_in_dim3A_122 = arith.constant 8 : i32
        %broadcast_in_dim3A_123 = vector.broadcast %broadcast_in_dim3A_122 : i32 to vector<16xi32>
        %add3A_124 = vector.broadcast %mul3A_2 : i32 to vector<16xi32>
        %add3A_125 = arith.addi %broadcast_in_dim3A_123, %add3A_124 : vector<16xi32>
        %gather3A_126 = tpu.vector_load_idx %arg14[%add3A_80, %add3A_125] : memref<128x32xf32, #tpu.memory_space<vmem>>[vector<16xi32>, vector<16xi32>], vector<16xf32>,
        %broadcast_in_dim3A_127 = arith.constant 9 : i32
        %broadcast_in_dim3A_128 = vector.broadcast %broadcast_in_dim3A_127 : i32 to vector<16xi32>
        %add3A_129 = vector.broadcast %mul3A_2 : i32 to vector<16xi32>
        %add3A_130 = arith.addi %broadcast_in_dim3A_128, %add3A_129 : vector<16xi32>
        %gather3A_131 = tpu.vector_load_idx %arg14[%add3A_80, %add3A_130] : memref<128x32xf32, #tpu.memory_space<vmem>>[vector<16xi32>, vector<16xi32>], vector<16xf32>,
        %broadcast_in_dim3A_132 = arith.constant 0 : i32
        %broadcast_in_dim3A_133 = vector.broadcast %broadcast_in_dim3A_132 : i32 to vector<16xi32>
        %sub3A = arith.constant 10 : i32
        %sub3A_134 = arith.subi %sub3A, %mul3A_2 : i32
        %add3A_135 = vector.broadcast %sub3A_134 : i32 to vector<16xi32>
        %add3A_136 = arith.addi %broadcast_in_dim3A_133, %add3A_135 : vector<16xi32>
        %gather3A_137 = tpu.vector_load_idx %arg14[%add3A_80, %add3A_136] : memref<128x32xf32, #tpu.memory_space<vmem>>[vector<16xi32>, vector<16xi32>], vector<16xf32>,
        %broadcast_in_dim3A_138 = arith.constant 1 : i32
        %broadcast_in_dim3A_139 = vector.broadcast %broadcast_in_dim3A_138 : i32 to vector<16xi32>
        %sub3A_140 = arith.constant 10 : i32
        %sub3A_141 = arith.subi %sub3A_140, %mul3A_2 : i32
        %add3A_142 = vector.broadcast %sub3A_141 : i32 to vector<16xi32>
        %add3A_143 = arith.addi %broadcast_in_dim3A_139, %add3A_142 : vector<16xi32>
        %gather3A_144 = tpu.vector_load_idx %arg14[%add3A_80, %add3A_143] : memref<128x32xf32, #tpu.memory_space<vmem>>[vector<16xi32>, vector<16xi32>], vector<16xf32>,
        %broadcast_in_dim3A_145 = arith.constant 2 : i32
        %broadcast_in_dim3A_146 = vector.broadcast %broadcast_in_dim3A_145 : i32 to vector<16xi32>
        %sub3A_147 = arith.constant 10 : i32
        %sub3A_148 = arith.subi %sub3A_147, %mul3A_2 : i32
        %add3A_149 = vector.broadcast %sub3A_148 : i32 to vector<16xi32>
        %add3A_150 = arith.addi %broadcast_in_dim3A_146, %add3A_149 : vector<16xi32>
        %gather3A_151 = tpu.vector_load_idx %arg14[%add3A_80, %add3A_150] : memref<128x32xf32, #tpu.memory_space<vmem>>[vector<16xi32>, vector<16xi32>], vector<16xf32>,
        %broadcast_in_dim3A_152 = arith.constant 3 : i32
        %broadcast_in_dim3A_153 = vector.broadcast %broadcast_in_dim3A_152 : i32 to vector<16xi32>
        %sub3A_154 = arith.constant 10 : i32
        %sub3A_155 = arith.subi %sub3A_154, %mul3A_2 : i32
        %add3A_156 = vector.broadcast %sub3A_155 : i32 to vector<16xi32>
        %add3A_157 = arith.addi %broadcast_in_dim3A_153, %add3A_156 : vector<16xi32>
        %gather3A_158 = tpu.vector_load_idx %arg14[%add3A_80, %add3A_157] : memref<128x32xf32, #tpu.memory_space<vmem>>[vector<16xi32>, vector<16xi32>], vector<16xf32>,
        %broadcast_in_dim3A_159 = arith.constant 4 : i32
        %broadcast_in_dim3A_160 = vector.broadcast %broadcast_in_dim3A_159 : i32 to vector<16xi32>
        %sub3A_161 = arith.constant 10 : i32
        %sub3A_162 = arith.subi %sub3A_161, %mul3A_2 : i32
        %add3A_163 = vector.broadcast %sub3A_162 : i32 to vector<16xi32>
        %add3A_164 = arith.addi %broadcast_in_dim3A_160, %add3A_163 : vector<16xi32>
        %gather3A_165 = tpu.vector_load_idx %arg14[%add3A_80, %add3A_164] : memref<128x32xf32, #tpu.memory_space<vmem>>[vector<16xi32>, vector<16xi32>], vector<16xf32>,
        %broadcast_in_dim3A_166 = arith.constant 5 : i32
        %broadcast_in_dim3A_167 = vector.broadcast %broadcast_in_dim3A_166 : i32 to vector<16xi32>
        %sub3A_168 = arith.constant 10 : i32
        %sub3A_169 = arith.subi %sub3A_168, %mul3A_2 : i32
        %add3A_170 = vector.broadcast %sub3A_169 : i32 to vector<16xi32>
        %add3A_171 = arith.addi %broadcast_in_dim3A_167, %add3A_170 : vector<16xi32>
        %gather3A_172 = tpu.vector_load_idx %arg14[%add3A_80, %add3A_171] : memref<128x32xf32, #tpu.memory_space<vmem>>[vector<16xi32>, vector<16xi32>], vector<16xf32>,
        %broadcast_in_dim3A_173 = arith.constant 6 : i32
        %broadcast_in_dim3A_174 = vector.broadcast %broadcast_in_dim3A_173 : i32 to vector<16xi32>
        %sub3A_175 = arith.constant 10 : i32
        %sub3A_176 = arith.subi %sub3A_175, %mul3A_2 : i32
        %add3A_177 = vector.broadcast %sub3A_176 : i32 to vector<16xi32>
        %add3A_178 = arith.addi %broadcast_in_dim3A_174, %add3A_177 : vector<16xi32>
        %gather3A_179 = tpu.vector_load_idx %arg14[%add3A_80, %add3A_178] : memref<128x32xf32, #tpu.memory_space<vmem>>[vector<16xi32>, vector<16xi32>], vector<16xf32>,
        %broadcast_in_dim3A_180 = arith.constant 7 : i32
        %broadcast_in_dim3A_181 = vector.broadcast %broadcast_in_dim3A_180 : i32 to vector<16xi32>
        %sub3A_182 = arith.constant 10 : i32
        %sub3A_183 = arith.subi %sub3A_182, %mul3A_2 : i32
        %add3A_184 = vector.broadcast %sub3A_183 : i32 to vector<16xi32>
        %add3A_185 = arith.addi %broadcast_in_dim3A_181, %add3A_184 : vector<16xi32>
        %gather3A_186 = tpu.vector_load_idx %arg14[%add3A_80, %add3A_185] : memref<128x32xf32, #tpu.memory_space<vmem>>[vector<16xi32>, vector<16xi32>], vector<16xf32>,
        %broadcast_in_dim3A_187 = arith.constant 8 : i32
        %broadcast_in_dim3A_188 = vector.broadcast %broadcast_in_dim3A_187 : i32 to vector<16xi32>
        %sub3A_189 = arith.constant 10 : i32
        %sub3A_190 = arith.subi %sub3A_189, %mul3A_2 : i32
        %add3A_191 = vector.broadcast %sub3A_190 : i32 to vector<16xi32>
        %add3A_192 = arith.addi %broadcast_in_dim3A_188, %add3A_191 : vector<16xi32>
        %gather3A_193 = tpu.vector_load_idx %arg14[%add3A_80, %add3A_192] : memref<128x32xf32, #tpu.memory_space<vmem>>[vector<16xi32>, vector<16xi32>], vector<16xf32>,
        %broadcast_in_dim3A_194 = arith.constant 9 : i32
        %broadcast_in_dim3A_195 = vector.broadcast %broadcast_in_dim3A_194 : i32 to vector<16xi32>
        %sub3A_196 = arith.constant 10 : i32
        %sub3A_197 = arith.subi %sub3A_196, %mul3A_2 : i32
        %add3A_198 = vector.broadcast %sub3A_197 : i32 to vector<16xi32>
        %add3A_199 = arith.addi %broadcast_in_dim3A_195, %add3A_198 : vector<16xi32>
        %gather3A_200 = tpu.vector_load_idx %arg14[%add3A_80, %add3A_199] : memref<128x32xf32, #tpu.memory_space<vmem>>[vector<16xi32>, vector<16xi32>], vector<16xf32>,
        %gather3A_201 = tpu.vector_load_idx %arg12[%get3A_83] : memref<500xf32, #tpu.memory_space<vmem>>[vector<16xi32>], vector<16xf32>,
        %broadcast_in_dim3A_202 = arith.constant 0 : i32
        %broadcast_in_dim3A_203 = vector.broadcast %broadcast_in_dim3A_202 : i32 to vector<16xi32>
        %add3A_204 = vector.broadcast %mul3A_2 : i32 to vector<16xi32>
        %add3A_205 = arith.addi %broadcast_in_dim3A_203, %add3A_204 : vector<16xi32>
        %gather3A_206 = tpu.vector_load_idx %arg11[%get3A_83, %add3A_205] : memref<500x20xf32, #tpu.memory_space<vmem>>[vector<16xi32>, vector<16xi32>], vector<16xf32>,
        %mul3A_207 = arith.mulf %gather3A, %gather3A_206 : vector<16xf32>
        %add3A_208 = arith.addf %gather3A_201, %mul3A_207 : vector<16xf32>
        %broadcast_in_dim3A_209 = arith.constant 0 : i32
        %broadcast_in_dim3A_210 = vector.broadcast %broadcast_in_dim3A_209 : i32 to vector<16xi32>
        %sub3A_211 = arith.constant 10 : i32
        %sub3A_212 = arith.subi %sub3A_211, %mul3A_2 : i32
        %add3A_213 = vector.broadcast %sub3A_212 : i32 to vector<16xi32>
        %add3A_214 = arith.addi %broadcast_in_dim3A_210, %add3A_213 : vector<16xi32>
        %gather3A_215 = tpu.vector_load_idx %arg11[%get3A_83, %add3A_214] : memref<500x20xf32, #tpu.memory_space<vmem>>[vector<16xi32>, vector<16xi32>], vector<16xf32>,
        %mul3A_216 = arith.mulf %gather3A_137, %gather3A_215 : vector<16xf32>
        %add3A_217 = arith.addf %add3A_208, %mul3A_216 : vector<16xf32>
        %broadcast_in_dim3A_218 = arith.constant 1 : i32
        %broadcast_in_dim3A_219 = vector.broadcast %broadcast_in_dim3A_218 : i32 to vector<16xi32>
        %add3A_220 = vector.broadcast %mul3A_2 : i32 to vector<16xi32>
        %add3A_221 = arith.addi %broadcast_in_dim3A_219, %add3A_220 : vector<16xi32>
        %gather3A_222 = tpu.vector_load_idx %arg11[%get3A_83, %add3A_221] : memref<500x20xf32, #tpu.memory_space<vmem>>[vector<16xi32>, vector<16xi32>], vector<16xf32>,
        %mul3A_223 = arith.mulf %gather3A_91, %gather3A_222 : vector<16xf32>
        %add3A_224 = arith.addf %add3A_217, %mul3A_223 : vector<16xf32>
        %broadcast_in_dim3A_225 = arith.constant 1 : i32
        %broadcast_in_dim3A_226 = vector.broadcast %broadcast_in_dim3A_225 : i32 to vector<16xi32>
        %sub3A_227 = arith.constant 10 : i32
        %sub3A_228 = arith.subi %sub3A_227, %mul3A_2 : i32
        %add3A_229 = vector.broadcast %sub3A_228 : i32 to vector<16xi32>
        %add3A_230 = arith.addi %broadcast_in_dim3A_226, %add3A_229 : vector<16xi32>
        %gather3A_231 = tpu.vector_load_idx %arg11[%get3A_83, %add3A_230] : memref<500x20xf32, #tpu.memory_space<vmem>>[vector<16xi32>, vector<16xi32>], vector<16xf32>,
        %mul3A_232 = arith.mulf %gather3A_144, %gather3A_231 : vector<16xf32>
        %add3A_233 = arith.addf %add3A_224, %mul3A_232 : vector<16xf32>
        %broadcast_in_dim3A_234 = arith.constant 2 : i32
        %broadcast_in_dim3A_235 = vector.broadcast %broadcast_in_dim3A_234 : i32 to vector<16xi32>
        %add3A_236 = vector.broadcast %mul3A_2 : i32 to vector<16xi32>
        %add3A_237 = arith.addi %broadcast_in_dim3A_235, %add3A_236 : vector<16xi32>
        %gather3A_238 = tpu.vector_load_idx %arg11[%get3A_83, %add3A_237] : memref<500x20xf32, #tpu.memory_space<vmem>>[vector<16xi32>, vector<16xi32>], vector<16xf32>,
        %mul3A_239 = arith.mulf %gather3A_96, %gather3A_238 : vector<16xf32>
        %add3A_240 = arith.addf %add3A_233, %mul3A_239 : vector<16xf32>
        %broadcast_in_dim3A_241 = arith.constant 2 : i32
        %broadcast_in_dim3A_242 = vector.broadcast %broadcast_in_dim3A_241 : i32 to vector<16xi32>
        %sub3A_243 = arith.constant 10 : i32
        %sub3A_244 = arith.subi %sub3A_243, %mul3A_2 : i32
        %add3A_245 = vector.broadcast %sub3A_244 : i32 to vector<16xi32>
        %add3A_246 = arith.addi %broadcast_in_dim3A_242, %add3A_245 : vector<16xi32>
        %gather3A_247 = tpu.vector_load_idx %arg11[%get3A_83, %add3A_246] : memref<500x20xf32, #tpu.memory_space<vmem>>[vector<16xi32>, vector<16xi32>], vector<16xf32>,
        %mul3A_248 = arith.mulf %gather3A_151, %gather3A_247 : vector<16xf32>
        %add3A_249 = arith.addf %add3A_240, %mul3A_248 : vector<16xf32>
        %broadcast_in_dim3A_250 = arith.constant 3 : i32
        %broadcast_in_dim3A_251 = vector.broadcast %broadcast_in_dim3A_250 : i32 to vector<16xi32>
        %add3A_252 = vector.broadcast %mul3A_2 : i32 to vector<16xi32>
        %add3A_253 = arith.addi %broadcast_in_dim3A_251, %add3A_252 : vector<16xi32>
        %gather3A_254 = tpu.vector_load_idx %arg11[%get3A_83, %add3A_253] : memref<500x20xf32, #tpu.memory_space<vmem>>[vector<16xi32>, vector<16xi32>], vector<16xf32>,
        %mul3A_255 = arith.mulf %gather3A_101, %gather3A_254 : vector<16xf32>
        %add3A_256 = arith.addf %add3A_249, %mul3A_255 : vector<16xf32>
        %broadcast_in_dim3A_257 = arith.constant 3 : i32
        %broadcast_in_dim3A_258 = vector.broadcast %broadcast_in_dim3A_257 : i32 to vector<16xi32>
        %sub3A_259 = arith.constant 10 : i32
        %sub3A_260 = arith.subi %sub3A_259, %mul3A_2 : i32
        %add3A_261 = vector.broadcast %sub3A_260 : i32 to vector<16xi32>
        %add3A_262 = arith.addi %broadcast_in_dim3A_258, %add3A_261 : vector<16xi32>
        %gather3A_263 = tpu.vector_load_idx %arg11[%get3A_83, %add3A_262] : memref<500x20xf32, #tpu.memory_space<vmem>>[vector<16xi32>, vector<16xi32>], vector<16xf32>,
        %mul3A_264 = arith.mulf %gather3A_158, %gather3A_263 : vector<16xf32>
        %add3A_265 = arith.addf %add3A_256, %mul3A_264 : vector<16xf32>
        %broadcast_in_dim3A_266 = arith.constant 4 : i32
        %broadcast_in_dim3A_267 = vector.broadcast %broadcast_in_dim3A_266 : i32 to vector<16xi32>
        %add3A_268 = vector.broadcast %mul3A_2 : i32 to vector<16xi32>
        %add3A_269 = arith.addi %broadcast_in_dim3A_267, %add3A_268 : vector<16xi32>
        %gather3A_270 = tpu.vector_load_idx %arg11[%get3A_83, %add3A_269] : memref<500x20xf32, #tpu.memory_space<vmem>>[vector<16xi32>, vector<16xi32>], vector<16xf32>,
        %mul3A_271 = arith.mulf %gather3A_106, %gather3A_270 : vector<16xf32>
        %add3A_272 = arith.addf %add3A_265, %mul3A_271 : vector<16xf32>
        %broadcast_in_dim3A_273 = arith.constant 4 : i32
        %broadcast_in_dim3A_274 = vector.broadcast %broadcast_in_dim3A_273 : i32 to vector<16xi32>
        %sub3A_275 = arith.constant 10 : i32
        %sub3A_276 = arith.subi %sub3A_275, %mul3A_2 : i32
        %add3A_277 = vector.broadcast %sub3A_276 : i32 to vector<16xi32>
        %add3A_278 = arith.addi %broadcast_in_dim3A_274, %add3A_277 : vector<16xi32>
        %gather3A_279 = tpu.vector_load_idx %arg11[%get3A_83, %add3A_278] : memref<500x20xf32, #tpu.memory_space<vmem>>[vector<16xi32>, vector<16xi32>], vector<16xf32>,
        %mul3A_280 = arith.mulf %gather3A_165, %gather3A_279 : vector<16xf32>
        %add3A_281 = arith.addf %add3A_272, %mul3A_280 : vector<16xf32>
        %broadcast_in_dim3A_282 = arith.constant 5 : i32
        %broadcast_in_dim3A_283 = vector.broadcast %broadcast_in_dim3A_282 : i32 to vector<16xi32>
        %add3A_284 = vector.broadcast %mul3A_2 : i32 to vector<16xi32>
        %add3A_285 = arith.addi %broadcast_in_dim3A_283, %add3A_284 : vector<16xi32>
        %gather3A_286 = tpu.vector_load_idx %arg11[%get3A_83, %add3A_285] : memref<500x20xf32, #tpu.memory_space<vmem>>[vector<16xi32>, vector<16xi32>], vector<16xf32>,
        %mul3A_287 = arith.mulf %gather3A_111, %gather3A_286 : vector<16xf32>
        %add3A_288 = arith.addf %add3A_281, %mul3A_287 : vector<16xf32>
        %broadcast_in_dim3A_289 = arith.constant 5 : i32
        %broadcast_in_dim3A_290 = vector.broadcast %broadcast_in_dim3A_289 : i32 to vector<16xi32>
        %sub3A_291 = arith.constant 10 : i32
        %sub3A_292 = arith.subi %sub3A_291, %mul3A_2 : i32
        %add3A_293 = vector.broadcast %sub3A_292 : i32 to vector<16xi32>
        %add3A_294 = arith.addi %broadcast_in_dim3A_290, %add3A_293 : vector<16xi32>
        %gather3A_295 = tpu.vector_load_idx %arg11[%get3A_83, %add3A_294] : memref<500x20xf32, #tpu.memory_space<vmem>>[vector<16xi32>, vector<16xi32>], vector<16xf32>,
        %mul3A_296 = arith.mulf %gather3A_172, %gather3A_295 : vector<16xf32>
        %add3A_297 = arith.addf %add3A_288, %mul3A_296 : vector<16xf32>
        %broadcast_in_dim3A_298 = arith.constant 6 : i32
        %broadcast_in_dim3A_299 = vector.broadcast %broadcast_in_dim3A_298 : i32 to vector<16xi32>
        %add3A_300 = vector.broadcast %mul3A_2 : i32 to vector<16xi32>
        %add3A_301 = arith.addi %broadcast_in_dim3A_299, %add3A_300 : vector<16xi32>
        %gather3A_302 = tpu.vector_load_idx %arg11[%get3A_83, %add3A_301] : memref<500x20xf32, #tpu.memory_space<vmem>>[vector<16xi32>, vector<16xi32>], vector<16xf32>,
        %mul3A_303 = arith.mulf %gather3A_116, %gather3A_302 : vector<16xf32>
        %add3A_304 = arith.addf %add3A_297, %mul3A_303 : vector<16xf32>
        %broadcast_in_dim3A_305 = arith.constant 6 : i32
        %broadcast_in_dim3A_306 = vector.broadcast %broadcast_in_dim3A_305 : i32 to vector<16xi32>
        %sub3A_307 = arith.constant 10 : i32
        %sub3A_308 = arith.subi %sub3A_307, %mul3A_2 : i32
        %add3A_309 = vector.broadcast %sub3A_308 : i32 to vector<16xi32>
        %add3A_310 = arith.addi %broadcast_in_dim3A_306, %add3A_309 : vector<16xi32>
        %gather3A_311 = tpu.vector_load_idx %arg11[%get3A_83, %add3A_310] : memref<500x20xf32, #tpu.memory_space<vmem>>[vector<16xi32>, vector<16xi32>], vector<16xf32>,
        %mul3A_312 = arith.mulf %gather3A_179, %gather3A_311 : vector<16xf32>
        %add3A_313 = arith.addf %add3A_304, %mul3A_312 : vector<16xf32>
        %broadcast_in_dim3A_314 = arith.constant 7 : i32
        %broadcast_in_dim3A_315 = vector.broadcast %broadcast_in_dim3A_314 : i32 to vector<16xi32>
        %add3A_316 = vector.broadcast %mul3A_2 : i32 to vector<16xi32>
        %add3A_317 = arith.addi %broadcast_in_dim3A_315, %add3A_316 : vector<16xi32>
        %gather3A_318 = tpu.vector_load_idx %arg11[%get3A_83, %add3A_317] : memref<500x20xf32, #tpu.memory_space<vmem>>[vector<16xi32>, vector<16xi32>], vector<16xf32>,
        %mul3A_319 = arith.mulf %gather3A_121, %gather3A_318 : vector<16xf32>
        %add3A_320 = arith.addf %add3A_313, %mul3A_319 : vector<16xf32>
        %broadcast_in_dim3A_321 = arith.constant 7 : i32
        %broadcast_in_dim3A_322 = vector.broadcast %broadcast_in_dim3A_321 : i32 to vector<16xi32>
        %sub3A_323 = arith.constant 10 : i32
        %sub3A_324 = arith.subi %sub3A_323, %mul3A_2 : i32
        %add3A_325 = vector.broadcast %sub3A_324 : i32 to vector<16xi32>
        %add3A_326 = arith.addi %broadcast_in_dim3A_322, %add3A_325 : vector<16xi32>
        %gather3A_327 = tpu.vector_load_idx %arg11[%get3A_83, %add3A_326] : memref<500x20xf32, #tpu.memory_space<vmem>>[vector<16xi32>, vector<16xi32>], vector<16xf32>,
        %mul3A_328 = arith.mulf %gather3A_186, %gather3A_327 : vector<16xf32>
        %add3A_329 = arith.addf %add3A_320, %mul3A_328 : vector<16xf32>
        %broadcast_in_dim3A_330 = arith.constant 8 : i32
        %broadcast_in_dim3A_331 = vector.broadcast %broadcast_in_dim3A_330 : i32 to vector<16xi32>
        %add3A_332 = vector.broadcast %mul3A_2 : i32 to vector<16xi32>
        %add3A_333 = arith.addi %broadcast_in_dim3A_331, %add3A_332 : vector<16xi32>
        %gather3A_334 = tpu.vector_load_idx %arg11[%get3A_83, %add3A_333] : memref<500x20xf32, #tpu.memory_space<vmem>>[vector<16xi32>, vector<16xi32>], vector<16xf32>,
        %mul3A_335 = arith.mulf %gather3A_126, %gather3A_334 : vector<16xf32>
        %add3A_336 = arith.addf %add3A_329, %mul3A_335 : vector<16xf32>
        %broadcast_in_dim3A_337 = arith.constant 8 : i32
        %broadcast_in_dim3A_338 = vector.broadcast %broadcast_in_dim3A_337 : i32 to vector<16xi32>
        %sub3A_339 = arith.constant 10 : i32
        %sub3A_340 = arith.subi %sub3A_339, %mul3A_2 : i32
        %add3A_341 = vector.broadcast %sub3A_340 : i32 to vector<16xi32>
        %add3A_342 = arith.addi %broadcast_in_dim3A_338, %add3A_341 : vector<16xi32>
        %gather3A_343 = tpu.vector_load_idx %arg11[%get3A_83, %add3A_342] : memref<500x20xf32, #tpu.memory_space<vmem>>[vector<16xi32>, vector<16xi32>], vector<16xf32>,
        %mul3A_344 = arith.mulf %gather3A_193, %gather3A_343 : vector<16xf32>
        %add3A_345 = arith.addf %add3A_336, %mul3A_344 : vector<16xf32>
        %broadcast_in_dim3A_346 = arith.constant 9 : i32
        %broadcast_in_dim3A_347 = vector.broadcast %broadcast_in_dim3A_346 : i32 to vector<16xi32>
        %add3A_348 = vector.broadcast %mul3A_2 : i32 to vector<16xi32>
        %add3A_349 = arith.addi %broadcast_in_dim3A_347, %add3A_348 : vector<16xi32>
        %gather3A_350 = tpu.vector_load_idx %arg11[%get3A_83, %add3A_349] : memref<500x20xf32, #tpu.memory_space<vmem>>[vector<16xi32>, vector<16xi32>], vector<16xf32>,
        %mul3A_351 = arith.mulf %gather3A_131, %gather3A_350 : vector<16xf32>
        %add3A_352 = arith.addf %add3A_345, %mul3A_351 : vector<16xf32>
        %broadcast_in_dim3A_353 = arith.constant 9 : i32
        %broadcast_in_dim3A_354 = vector.broadcast %broadcast_in_dim3A_353 : i32 to vector<16xi32>
        %sub3A_355 = arith.constant 10 : i32
        %sub3A_356 = arith.subi %sub3A_355, %mul3A_2 : i32
        %add3A_357 = vector.broadcast %sub3A_356 : i32 to vector<16xi32>
        %add3A_358 = arith.addi %broadcast_in_dim3A_354, %add3A_357 : vector<16xi32>
        %gather3A_359 = tpu.vector_load_idx %arg11[%get3A_83, %add3A_358] : memref<500x20xf32, #tpu.memory_space<vmem>>[vector<16xi32>, vector<16xi32>], vector<16xf32>,
        %mul3A_360 = arith.mulf %gather3A_200, %gather3A_359 : vector<16xf32>
        %add3A_361 = arith.addf %add3A_352, %mul3A_360 : vector<16xf32>
        %neg3A = arith.constant 0.000000e+00 : f32
        %neg3A_362 = vector.broadcast %neg3A : f32 to vector<16xf32>
        %neg3A_363 = arith.subf %neg3A_362, %add3A_361 : vector<16xf32>
        %exp3A = math.exp %neg3A_363 : vector<16xf32>
        %add3A_364 = arith.constant 1.000000e+00 : f32
        %add3A_365 = vector.broadcast %add3A_364 : f32 to vector<16xf32>
        %add3A_366 = arith.addf %add3A_365, %exp3A : vector<16xf32>
        %div3A = arith.constant 1.000000e+00 : f32
        %div3A_367 = vector.broadcast %div3A : f32 to vector<16xf32>
        %div3A_368 = arith.divf %div3A_367, %add3A_366 : vector<16xf32>
        %broadcast_in_dim3A_369 = arith.constant 0 : i32
        %broadcast_in_dim3A_370 = vector.broadcast %broadcast_in_dim3A_369 : i32 to vector<16xi32>
        %gather3A_371 = tpu.vector_load_idx %arg9[%get3A_83, %broadcast_in_dim3A_370] : memref<500x56xf32, #tpu.memory_space<vmem>>[vector<16xi32>, vector<16xi32>], vector<16xf32>,
        %mul3A_372 = arith.mulf %gather3A, %gather3A_371 : vector<16xf32>
        %broadcast_in_dim3A_373 = arith.constant 5 : i32
        %broadcast_in_dim3A_374 = vector.broadcast %broadcast_in_dim3A_373 : i32 to vector<16xi32>
        %gather3A_375 = tpu.vector_load_idx %arg9[%get3A_83, %broadcast_in_dim3A_374] : memref<500x56xf32, #tpu.memory_space<vmem>>[vector<16xi32>, vector<16xi32>], vector<16xf32>,
        %mul3A_376 = arith.mulf %gather3A_91, %gather3A_375 : vector<16xf32>
        %add3A_377 = arith.addf %mul3A_372, %mul3A_376 : vector<16xf32>
        %broadcast_in_dim3A_378 = arith.constant 10 : i32
        %broadcast_in_dim3A_379 = vector.broadcast %broadcast_in_dim3A_378 : i32 to vector<16xi32>
        %gather3A_380 = tpu.vector_load_idx %arg9[%get3A_83, %broadcast_in_dim3A_379] : memref<500x56xf32, #tpu.memory_space<vmem>>[vector<16xi32>, vector<16xi32>], vector<16xf32>,
        %mul3A_381 = arith.mulf %gather3A_96, %gather3A_380 : vector<16xf32>
        %add3A_382 = arith.addf %add3A_377, %mul3A_381 : vector<16xf32>
        %broadcast_in_dim3A_383 = arith.constant 15 : i32
        %broadcast_in_dim3A_384 = vector.broadcast %broadcast_in_dim3A_383 : i32 to vector<16xi32>
        %gather3A_385 = tpu.vector_load_idx %arg9[%get3A_83, %broadcast_in_dim3A_384] : memref<500x56xf32, #tpu.memory_space<vmem>>[vector<16xi32>, vector<16xi32>], vector<16xf32>,
        %mul3A_386 = arith.mulf %gather3A_101, %gather3A_385 : vector<16xf32>
        %add3A_387 = arith.addf %add3A_382, %mul3A_386 : vector<16xf32>
        %broadcast_in_dim3A_388 = arith.constant 20 : i32
        %broadcast_in_dim3A_389 = vector.broadcast %broadcast_in_dim3A_388 : i32 to vector<16xi32>
        %gather3A_390 = tpu.vector_load_idx %arg9[%get3A_83, %broadcast_in_dim3A_389] : memref<500x56xf32, #tpu.memory_space<vmem>>[vector<16xi32>, vector<16xi32>], vector<16xf32>,
        %mul3A_391 = arith.mulf %gather3A_106, %gather3A_390 : vector<16xf32>
        %add3A_392 = arith.addf %add3A_387, %mul3A_391 : vector<16xf32>
        %broadcast_in_dim3A_393 = arith.constant 0 : i32
        %broadcast_in_dim3A_394 = vector.broadcast %broadcast_in_dim3A_393 : i32 to vector<16xi32>
        %gather3A_395 = tpu.vector_load_idx %arg10[%get3A_83, %broadcast_in_dim3A_394] : memref<500x16xf32, #tpu.memory_space<vmem>>[vector<16xi32>, vector<16xi32>], vector<16xf32>,
        %add3A_396 = arith.addf %add3A_392, %gather3A_395 : vector<16xf32>
        %mul3A_397 = arith.mulf %div3A_368, %add3A_396 : vector<16xf32>
        %broadcast_in_dim3A_398 = arith.constant 0 : i32
        %broadcast_in_dim3A_399 = vector.broadcast %broadcast_in_dim3A_398 : i32 to vector<16xi32>
        tpu.vector_store_idx %arg15[%add3A_80, %broadcast_in_dim3A_399], %mul3A_397 : memref<128x16xf32, #tpu.memory_space<vmem>>[vector<16xi32>, vector<16xi32>], vector<16xf32>,
        %broadcast_in_dim3A_400 = arith.constant 1 : i32
        %broadcast_in_dim3A_401 = vector.broadcast %broadcast_in_dim3A_400 : i32 to vector<16xi32>
        %gather3A_402 = tpu.vector_load_idx %arg9[%get3A_83, %broadcast_in_dim3A_401] : memref<500x56xf32, #tpu.memory_space<vmem>>[vector<16xi32>, vector<16xi32>], vector<16xf32>,
        %mul3A_403 = arith.mulf %gather3A, %gather3A_402 : vector<16xf32>
        %broadcast_in_dim3A_404 = arith.constant 6 : i32
        %broadcast_in_dim3A_405 = vector.broadcast %broadcast_in_dim3A_404 : i32 to vector<16xi32>
        %gather3A_406 = tpu.vector_load_idx %arg9[%get3A_83, %broadcast_in_dim3A_405] : memref<500x56xf32, #tpu.memory_space<vmem>>[vector<16xi32>, vector<16xi32>], vector<16xf32>,
        %mul3A_407 = arith.mulf %gather3A_91, %gather3A_406 : vector<16xf32>
        %add3A_408 = arith.addf %mul3A_403, %mul3A_407 : vector<16xf32>
        %broadcast_in_dim3A_409 = arith.constant 11 : i32
        %broadcast_in_dim3A_410 = vector.broadcast %broadcast_in_dim3A_409 : i32 to vector<16xi32>
        %gather3A_411 = tpu.vector_load_idx %arg9[%get3A_83, %broadcast_in_dim3A_410] : memref<500x56xf32, #tpu.memory_space<vmem>>[vector<16xi32>, vector<16xi32>], vector<16xf32>,
        %mul3A_412 = arith.mulf %gather3A_96, %gather3A_411 : vector<16xf32>
        %add3A_413 = arith.addf %add3A_408, %mul3A_412 : vector<16xf32>
        %broadcast_in_dim3A_414 = arith.constant 16 : i32
        %broadcast_in_dim3A_415 = vector.broadcast %broadcast_in_dim3A_414 : i32 to vector<16xi32>
        %gather3A_416 = tpu.vector_load_idx %arg9[%get3A_83, %broadcast_in_dim3A_415] : memref<500x56xf32, #tpu.memory_space<vmem>>[vector<16xi32>, vector<16xi32>], vector<16xf32>,
        %mul3A_417 = arith.mulf %gather3A_101, %gather3A_416 : vector<16xf32>
        %add3A_418 = arith.addf %add3A_413, %mul3A_417 : vector<16xf32>
        %broadcast_in_dim3A_419 = arith.constant 21 : i32
        %broadcast_in_dim3A_420 = vector.broadcast %broadcast_in_dim3A_419 : i32 to vector<16xi32>
        %gather3A_421 = tpu.vector_load_idx %arg9[%get3A_83, %broadcast_in_dim3A_420] : memref<500x56xf32, #tpu.memory_space<vmem>>[vector<16xi32>, vector<16xi32>], vector<16xf32>,
        %mul3A_422 = arith.mulf %gather3A_106, %gather3A_421 : vector<16xf32>
        %add3A_423 = arith.addf %add3A_418, %mul3A_422 : vector<16xf32>
        %broadcast_in_dim3A_424 = arith.constant 1 : i32
        %broadcast_in_dim3A_425 = vector.broadcast %broadcast_in_dim3A_424 : i32 to vector<16xi32>
        %gather3A_426 = tpu.vector_load_idx %arg10[%get3A_83, %broadcast_in_dim3A_425] : memref<500x16xf32, #tpu.memory_space<vmem>>[vector<16xi32>, vector<16xi32>], vector<16xf32>,
        %add3A_427 = arith.addf %add3A_423, %gather3A_426 : vector<16xf32>
        %mul3A_428 = arith.mulf %div3A_368, %add3A_427 : vector<16xf32>
        %broadcast_in_dim3A_429 = arith.constant 1 : i32
        %broadcast_in_dim3A_430 = vector.broadcast %broadcast_in_dim3A_429 : i32 to vector<16xi32>
        tpu.vector_store_idx %arg15[%add3A_80, %broadcast_in_dim3A_430], %mul3A_428 : memref<128x16xf32, #tpu.memory_space<vmem>>[vector<16xi32>, vector<16xi32>], vector<16xf32>,
        %broadcast_in_dim3A_431 = arith.constant 2 : i32
        %broadcast_in_dim3A_432 = vector.broadcast %broadcast_in_dim3A_431 : i32 to vector<16xi32>
        %gather3A_433 = tpu.vector_load_idx %arg9[%get3A_83, %broadcast_in_dim3A_432] : memref<500x56xf32, #tpu.memory_space<vmem>>[vector<16xi32>, vector<16xi32>], vector<16xf32>,
        %mul3A_434 = arith.mulf %gather3A, %gather3A_433 : vector<16xf32>
        %broadcast_in_dim3A_435 = arith.constant 7 : i32
        %broadcast_in_dim3A_436 = vector.broadcast %broadcast_in_dim3A_435 : i32 to vector<16xi32>
        %gather3A_437 = tpu.vector_load_idx %arg9[%get3A_83, %broadcast_in_dim3A_436] : memref<500x56xf32, #tpu.memory_space<vmem>>[vector<16xi32>, vector<16xi32>], vector<16xf32>,
        %mul3A_438 = arith.mulf %gather3A_91, %gather3A_437 : vector<16xf32>
        %add3A_439 = arith.addf %mul3A_434, %mul3A_438 : vector<16xf32>
        %broadcast_in_dim3A_440 = arith.constant 12 : i32
        %broadcast_in_dim3A_441 = vector.broadcast %broadcast_in_dim3A_440 : i32 to vector<16xi32>
        %gather3A_442 = tpu.vector_load_idx %arg9[%get3A_83, %broadcast_in_dim3A_441] : memref<500x56xf32, #tpu.memory_space<vmem>>[vector<16xi32>, vector<16xi32>], vector<16xf32>,
        %mul3A_443 = arith.mulf %gather3A_96, %gather3A_442 : vector<16xf32>
        %add3A_444 = arith.addf %add3A_439, %mul3A_443 : vector<16xf32>
        %broadcast_in_dim3A_445 = arith.constant 17 : i32
        %broadcast_in_dim3A_446 = vector.broadcast %broadcast_in_dim3A_445 : i32 to vector<16xi32>
        %gather3A_447 = tpu.vector_load_idx %arg9[%get3A_83, %broadcast_in_dim3A_446] : memref<500x56xf32, #tpu.memory_space<vmem>>[vector<16xi32>, vector<16xi32>], vector<16xf32>,
        %mul3A_448 = arith.mulf %gather3A_101, %gather3A_447 : vector<16xf32>
        %add3A_449 = arith.addf %add3A_444, %mul3A_448 : vector<16xf32>
        %broadcast_in_dim3A_450 = arith.constant 22 : i32
        %broadcast_in_dim3A_451 = vector.broadcast %broadcast_in_dim3A_450 : i32 to vector<16xi32>
        %gather3A_452 = tpu.vector_load_idx %arg9[%get3A_83, %broadcast_in_dim3A_451] : memref<500x56xf32, #tpu.memory_space<vmem>>[vector<16xi32>, vector<16xi32>], vector<16xf32>,
        %mul3A_453 = arith.mulf %gather3A_106, %gather3A_452 : vector<16xf32>
        %add3A_454 = arith.addf %add3A_449, %mul3A_453 : vector<16xf32>
        %broadcast_in_dim3A_455 = arith.constant 2 : i32
        %broadcast_in_dim3A_456 = vector.broadcast %broadcast_in_dim3A_455 : i32 to vector<16xi32>
        %gather3A_457 = tpu.vector_load_idx %arg10[%get3A_83, %broadcast_in_dim3A_456] : memref<500x16xf32, #tpu.memory_space<vmem>>[vector<16xi32>, vector<16xi32>], vector<16xf32>,
        %add3A_458 = arith.addf %add3A_454, %gather3A_457 : vector<16xf32>
        %mul3A_459 = arith.mulf %div3A_368, %add3A_458 : vector<16xf32>
        %broadcast_in_dim3A_460 = arith.constant 2 : i32
        %broadcast_in_dim3A_461 = vector.broadcast %broadcast_in_dim3A_460 : i32 to vector<16xi32>
        tpu.vector_store_idx %arg15[%add3A_80, %broadcast_in_dim3A_461], %mul3A_459 : memref<128x16xf32, #tpu.memory_space<vmem>>[vector<16xi32>, vector<16xi32>], vector<16xf32>,
        %broadcast_in_dim3A_462 = arith.constant 3 : i32
        %broadcast_in_dim3A_463 = vector.broadcast %broadcast_in_dim3A_462 : i32 to vector<16xi32>
        %gather3A_464 = tpu.vector_load_idx %arg9[%get3A_83, %broadcast_in_dim3A_463] : memref<500x56xf32, #tpu.memory_space<vmem>>[vector<16xi32>, vector<16xi32>], vector<16xf32>,
        %mul3A_465 = arith.mulf %gather3A, %gather3A_464 : vector<16xf32>
        %broadcast_in_dim3A_466 = arith.constant 8 : i32
        %broadcast_in_dim3A_467 = vector.broadcast %broadcast_in_dim3A_466 : i32 to vector<16xi32>
        %gather3A_468 = tpu.vector_load_idx %arg9[%get3A_83, %broadcast_in_dim3A_467] : memref<500x56xf32, #tpu.memory_space<vmem>>[vector<16xi32>, vector<16xi32>], vector<16xf32>,
        %mul3A_469 = arith.mulf %gather3A_91, %gather3A_468 : vector<16xf32>
        %add3A_470 = arith.addf %mul3A_465, %mul3A_469 : vector<16xf32>
        %broadcast_in_dim3A_471 = arith.constant 13 : i32
        %broadcast_in_dim3A_472 = vector.broadcast %broadcast_in_dim3A_471 : i32 to vector<16xi32>
        %gather3A_473 = tpu.vector_load_idx %arg9[%get3A_83, %broadcast_in_dim3A_472] : memref<500x56xf32, #tpu.memory_space<vmem>>[vector<16xi32>, vector<16xi32>], vector<16xf32>,
        %mul3A_474 = arith.mulf %gather3A_96, %gather3A_473 : vector<16xf32>
        %add3A_475 = arith.addf %add3A_470, %mul3A_474 : vector<16xf32>
        %broadcast_in_dim3A_476 = arith.constant 18 : i32
        %broadcast_in_dim3A_477 = vector.broadcast %broadcast_in_dim3A_476 : i32 to vector<16xi32>
        %gather3A_478 = tpu.vector_load_idx %arg9[%get3A_83, %broadcast_in_dim3A_477] : memref<500x56xf32, #tpu.memory_space<vmem>>[vector<16xi32>, vector<16xi32>], vector<16xf32>,
        %mul3A_479 = arith.mulf %gather3A_101, %gather3A_478 : vector<16xf32>
        %add3A_480 = arith.addf %add3A_475, %mul3A_479 : vector<16xf32>
        %broadcast_in_dim3A_481 = arith.constant 23 : i32
        %broadcast_in_dim3A_482 = vector.broadcast %broadcast_in_dim3A_481 : i32 to vector<16xi32>
        %gather3A_483 = tpu.vector_load_idx %arg9[%get3A_83, %broadcast_in_dim3A_482] : memref<500x56xf32, #tpu.memory_space<vmem>>[vector<16xi32>, vector<16xi32>], vector<16xf32>,
        %mul3A_484 = arith.mulf %gather3A_106, %gather3A_483 : vector<16xf32>
        %add3A_485 = arith.addf %add3A_480, %mul3A_484 : vector<16xf32>
        %broadcast_in_dim3A_486 = arith.constant 3 : i32
        %broadcast_in_dim3A_487 = vector.broadcast %broadcast_in_dim3A_486 : i32 to vector<16xi32>
        %gather3A_488 = tpu.vector_load_idx %arg10[%get3A_83, %broadcast_in_dim3A_487] : memref<500x16xf32, #tpu.memory_space<vmem>>[vector<16xi32>, vector<16xi32>], vector<16xf32>,
        %add3A_489 = arith.addf %add3A_485, %gather3A_488 : vector<16xf32>
        %mul3A_490 = arith.mulf %div3A_368, %add3A_489 : vector<16xf32>
        %broadcast_in_dim3A_491 = arith.constant 3 : i32
        %broadcast_in_dim3A_492 = vector.broadcast %broadcast_in_dim3A_491 : i32 to vector<16xi32>
        tpu.vector_store_idx %arg15[%add3A_80, %broadcast_in_dim3A_492], %mul3A_490 : memref<128x16xf32, #tpu.memory_space<vmem>>[vector<16xi32>, vector<16xi32>], vector<16xf32>,
        %broadcast_in_dim3A_493 = arith.constant 4 : i32
        %broadcast_in_dim3A_494 = vector.broadcast %broadcast_in_dim3A_493 : i32 to vector<16xi32>
        %gather3A_495 = tpu.vector_load_idx %arg9[%get3A_83, %broadcast_in_dim3A_494] : memref<500x56xf32, #tpu.memory_space<vmem>>[vector<16xi32>, vector<16xi32>], vector<16xf32>,
        %mul3A_496 = arith.mulf %gather3A, %gather3A_495 : vector<16xf32>
        %broadcast_in_dim3A_497 = arith.constant 9 : i32
        %broadcast_in_dim3A_498 = vector.broadcast %broadcast_in_dim3A_497 : i32 to vector<16xi32>
        %gather3A_499 = tpu.vector_load_idx %arg9[%get3A_83, %broadcast_in_dim3A_498] : memref<500x56xf32, #tpu.memory_space<vmem>>[vector<16xi32>, vector<16xi32>], vector<16xf32>,
        %mul3A_500 = arith.mulf %gather3A_91, %gather3A_499 : vector<16xf32>
        %add3A_501 = arith.addf %mul3A_496, %mul3A_500 : vector<16xf32>
        %broadcast_in_dim3A_502 = arith.constant 14 : i32
        %broadcast_in_dim3A_503 = vector.broadcast %broadcast_in_dim3A_502 : i32 to vector<16xi32>
        %gather3A_504 = tpu.vector_load_idx %arg9[%get3A_83, %broadcast_in_dim3A_503] : memref<500x56xf32, #tpu.memory_space<vmem>>[vector<16xi32>, vector<16xi32>], vector<16xf32>,
        %mul3A_505 = arith.mulf %gather3A_96, %gather3A_504 : vector<16xf32>
        %add3A_506 = arith.addf %add3A_501, %mul3A_505 : vector<16xf32>
        %broadcast_in_dim3A_507 = arith.constant 19 : i32
        %broadcast_in_dim3A_508 = vector.broadcast %broadcast_in_dim3A_507 : i32 to vector<16xi32>
        %gather3A_509 = tpu.vector_load_idx %arg9[%get3A_83, %broadcast_in_dim3A_508] : memref<500x56xf32, #tpu.memory_space<vmem>>[vector<16xi32>, vector<16xi32>], vector<16xf32>,
        %mul3A_510 = arith.mulf %gather3A_101, %gather3A_509 : vector<16xf32>
        %add3A_511 = arith.addf %add3A_506, %mul3A_510 : vector<16xf32>
        %broadcast_in_dim3A_512 = arith.constant 24 : i32
        %broadcast_in_dim3A_513 = vector.broadcast %broadcast_in_dim3A_512 : i32 to vector<16xi32>
        %gather3A_514 = tpu.vector_load_idx %arg9[%get3A_83, %broadcast_in_dim3A_513] : memref<500x56xf32, #tpu.memory_space<vmem>>[vector<16xi32>, vector<16xi32>], vector<16xf32>,
        %mul3A_515 = arith.mulf %gather3A_106, %gather3A_514 : vector<16xf32>
        %add3A_516 = arith.addf %add3A_511, %mul3A_515 : vector<16xf32>
        %broadcast_in_dim3A_517 = arith.constant 4 : i32
        %broadcast_in_dim3A_518 = vector.broadcast %broadcast_in_dim3A_517 : i32 to vector<16xi32>
        %gather3A_519 = tpu.vector_load_idx %arg10[%get3A_83, %broadcast_in_dim3A_518] : memref<500x16xf32, #tpu.memory_space<vmem>>[vector<16xi32>, vector<16xi32>], vector<16xf32>,
        %add3A_520 = arith.addf %add3A_516, %gather3A_519 : vector<16xf32>
        %mul3A_521 = arith.mulf %div3A_368, %add3A_520 : vector<16xf32>
        %broadcast_in_dim3A_522 = arith.constant 4 : i32
        %broadcast_in_dim3A_523 = vector.broadcast %broadcast_in_dim3A_522 : i32 to vector<16xi32>
        tpu.vector_store_idx %arg15[%add3A_80, %broadcast_in_dim3A_523], %mul3A_521 : memref<128x16xf32, #tpu.memory_space<vmem>>[vector<16xi32>, vector<16xi32>], vector<16xf32>,
        %broadcast_in_dim3A_524 = arith.constant 25 : i32
        %broadcast_in_dim3A_525 = vector.broadcast %broadcast_in_dim3A_524 : i32 to vector<16xi32>
        %gather3A_526 = tpu.vector_load_idx %arg9[%get3A_83, %broadcast_in_dim3A_525] : memref<500x56xf32, #tpu.memory_space<vmem>>[vector<16xi32>, vector<16xi32>], vector<16xf32>,
        %mul3A_527 = arith.mulf %gather3A_111, %gather3A_526 : vector<16xf32>
        %broadcast_in_dim3A_528 = arith.constant 30 : i32
        %broadcast_in_dim3A_529 = vector.broadcast %broadcast_in_dim3A_528 : i32 to vector<16xi32>
        %gather3A_530 = tpu.vector_load_idx %arg9[%get3A_83, %broadcast_in_dim3A_529] : memref<500x56xf32, #tpu.memory_space<vmem>>[vector<16xi32>, vector<16xi32>], vector<16xf32>,
        %mul3A_531 = arith.mulf %gather3A_116, %gather3A_530 : vector<16xf32>
        %add3A_532 = arith.addf %mul3A_527, %mul3A_531 : vector<16xf32>
        %broadcast_in_dim3A_533 = arith.constant 35 : i32
        %broadcast_in_dim3A_534 = vector.broadcast %broadcast_in_dim3A_533 : i32 to vector<16xi32>
        %gather3A_535 = tpu.vector_load_idx %arg9[%get3A_83, %broadcast_in_dim3A_534] : memref<500x56xf32, #tpu.memory_space<vmem>>[vector<16xi32>, vector<16xi32>], vector<16xf32>,
        %mul3A_536 = arith.mulf %gather3A_121, %gather3A_535 : vector<16xf32>
        %add3A_537 = arith.addf %add3A_532, %mul3A_536 : vector<16xf32>
        %broadcast_in_dim3A_538 = arith.constant 40 : i32
        %broadcast_in_dim3A_539 = vector.broadcast %broadcast_in_dim3A_538 : i32 to vector<16xi32>
        %gather3A_540 = tpu.vector_load_idx %arg9[%get3A_83, %broadcast_in_dim3A_539] : memref<500x56xf32, #tpu.memory_space<vmem>>[vector<16xi32>, vector<16xi32>], vector<16xf32>,
        %mul3A_541 = arith.mulf %gather3A_126, %gather3A_540 : vector<16xf32>
        %add3A_542 = arith.addf %add3A_537, %mul3A_541 : vector<16xf32>
        %broadcast_in_dim3A_543 = arith.constant 45 : i32
        %broadcast_in_dim3A_544 = vector.broadcast %broadcast_in_dim3A_543 : i32 to vector<16xi32>
        %gather3A_545 = tpu.vector_load_idx %arg9[%get3A_83, %broadcast_in_dim3A_544] : memref<500x56xf32, #tpu.memory_space<vmem>>[vector<16xi32>, vector<16xi32>], vector<16xf32>,
        %mul3A_546 = arith.mulf %gather3A_131, %gather3A_545 : vector<16xf32>
        %add3A_547 = arith.addf %add3A_542, %mul3A_546 : vector<16xf32>
        %broadcast_in_dim3A_548 = arith.constant 5 : i32
        %broadcast_in_dim3A_549 = vector.broadcast %broadcast_in_dim3A_548 : i32 to vector<16xi32>
        %gather3A_550 = tpu.vector_load_idx %arg10[%get3A_83, %broadcast_in_dim3A_549] : memref<500x16xf32, #tpu.memory_space<vmem>>[vector<16xi32>, vector<16xi32>], vector<16xf32>,
        %add3A_551 = arith.addf %add3A_547, %gather3A_550 : vector<16xf32>
        %mul3A_552 = arith.mulf %div3A_368, %add3A_551 : vector<16xf32>
        %broadcast_in_dim3A_553 = arith.constant 5 : i32
        %broadcast_in_dim3A_554 = vector.broadcast %broadcast_in_dim3A_553 : i32 to vector<16xi32>
        tpu.vector_store_idx %arg15[%add3A_80, %broadcast_in_dim3A_554], %mul3A_552 : memref<128x16xf32, #tpu.memory_space<vmem>>[vector<16xi32>, vector<16xi32>], vector<16xf32>,
        %broadcast_in_dim3A_555 = arith.constant 26 : i32
        %broadcast_in_dim3A_556 = vector.broadcast %broadcast_in_dim3A_555 : i32 to vector<16xi32>
        %gather3A_557 = tpu.vector_load_idx %arg9[%get3A_83, %broadcast_in_dim3A_556] : memref<500x56xf32, #tpu.memory_space<vmem>>[vector<16xi32>, vector<16xi32>], vector<16xf32>,
        %mul3A_558 = arith.mulf %gather3A_111, %gather3A_557 : vector<16xf32>
        %broadcast_in_dim3A_559 = arith.constant 31 : i32
        %broadcast_in_dim3A_560 = vector.broadcast %broadcast_in_dim3A_559 : i32 to vector<16xi32>
        %gather3A_561 = tpu.vector_load_idx %arg9[%get3A_83, %broadcast_in_dim3A_560] : memref<500x56xf32, #tpu.memory_space<vmem>>[vector<16xi32>, vector<16xi32>], vector<16xf32>,
        %mul3A_562 = arith.mulf %gather3A_116, %gather3A_561 : vector<16xf32>
        %add3A_563 = arith.addf %mul3A_558, %mul3A_562 : vector<16xf32>
        %broadcast_in_dim3A_564 = arith.constant 36 : i32
        %broadcast_in_dim3A_565 = vector.broadcast %broadcast_in_dim3A_564 : i32 to vector<16xi32>
        %gather3A_566 = tpu.vector_load_idx %arg9[%get3A_83, %broadcast_in_dim3A_565] : memref<500x56xf32, #tpu.memory_space<vmem>>[vector<16xi32>, vector<16xi32>], vector<16xf32>,
        %mul3A_567 = arith.mulf %gather3A_121, %gather3A_566 : vector<16xf32>
        %add3A_568 = arith.addf %add3A_563, %mul3A_567 : vector<16xf32>
        %broadcast_in_dim3A_569 = arith.constant 41 : i32
        %broadcast_in_dim3A_570 = vector.broadcast %broadcast_in_dim3A_569 : i32 to vector<16xi32>
        %gather3A_571 = tpu.vector_load_idx %arg9[%get3A_83, %broadcast_in_dim3A_570] : memref<500x56xf32, #tpu.memory_space<vmem>>[vector<16xi32>, vector<16xi32>], vector<16xf32>,
        %mul3A_572 = arith.mulf %gather3A_126, %gather3A_571 : vector<16xf32>
        %add3A_573 = arith.addf %add3A_568, %mul3A_572 : vector<16xf32>
        %broadcast_in_dim3A_574 = arith.constant 46 : i32
        %broadcast_in_dim3A_575 = vector.broadcast %broadcast_in_dim3A_574 : i32 to vector<16xi32>
        %gather3A_576 = tpu.vector_load_idx %arg9[%get3A_83, %broadcast_in_dim3A_575] : memref<500x56xf32, #tpu.memory_space<vmem>>[vector<16xi32>, vector<16xi32>], vector<16xf32>,
        %mul3A_577 = arith.mulf %gather3A_131, %gather3A_576 : vector<16xf32>
        %add3A_578 = arith.addf %add3A_573, %mul3A_577 : vector<16xf32>
        %broadcast_in_dim3A_579 = arith.constant 6 : i32
        %broadcast_in_dim3A_580 = vector.broadcast %broadcast_in_dim3A_579 : i32 to vector<16xi32>
        %gather3A_581 = tpu.vector_load_idx %arg10[%get3A_83, %broadcast_in_dim3A_580] : memref<500x16xf32, #tpu.memory_space<vmem>>[vector<16xi32>, vector<16xi32>], vector<16xf32>,
        %add3A_582 = arith.addf %add3A_578, %gather3A_581 : vector<16xf32>
        %mul3A_583 = arith.mulf %div3A_368, %add3A_582 : vector<16xf32>
        %broadcast_in_dim3A_584 = arith.constant 6 : i32
        %broadcast_in_dim3A_585 = vector.broadcast %broadcast_in_dim3A_584 : i32 to vector<16xi32>
        tpu.vector_store_idx %arg15[%add3A_80, %broadcast_in_dim3A_585], %mul3A_583 : memref<128x16xf32, #tpu.memory_space<vmem>>[vector<16xi32>, vector<16xi32>], vector<16xf32>,
        %broadcast_in_dim3A_586 = arith.constant 27 : i32
        %broadcast_in_dim3A_587 = vector.broadcast %broadcast_in_dim3A_586 : i32 to vector<16xi32>
        %gather3A_588 = tpu.vector_load_idx %arg9[%get3A_83, %broadcast_in_dim3A_587] : memref<500x56xf32, #tpu.memory_space<vmem>>[vector<16xi32>, vector<16xi32>], vector<16xf32>,
        %mul3A_589 = arith.mulf %gather3A_111, %gather3A_588 : vector<16xf32>
        %broadcast_in_dim3A_590 = arith.constant 32 : i32
        %broadcast_in_dim3A_591 = vector.broadcast %broadcast_in_dim3A_590 : i32 to vector<16xi32>
        %gather3A_592 = tpu.vector_load_idx %arg9[%get3A_83, %broadcast_in_dim3A_591] : memref<500x56xf32, #tpu.memory_space<vmem>>[vector<16xi32>, vector<16xi32>], vector<16xf32>,
        %mul3A_593 = arith.mulf %gather3A_116, %gather3A_592 : vector<16xf32>
        %add3A_594 = arith.addf %mul3A_589, %mul3A_593 : vector<16xf32>
        %broadcast_in_dim3A_595 = arith.constant 37 : i32
        %broadcast_in_dim3A_596 = vector.broadcast %broadcast_in_dim3A_595 : i32 to vector<16xi32>
        %gather3A_597 = tpu.vector_load_idx %arg9[%get3A_83, %broadcast_in_dim3A_596] : memref<500x56xf32, #tpu.memory_space<vmem>>[vector<16xi32>, vector<16xi32>], vector<16xf32>,
        %mul3A_598 = arith.mulf %gather3A_121, %gather3A_597 : vector<16xf32>
        %add3A_599 = arith.addf %add3A_594, %mul3A_598 : vector<16xf32>
        %broadcast_in_dim3A_600 = arith.constant 42 : i32
        %broadcast_in_dim3A_601 = vector.broadcast %broadcast_in_dim3A_600 : i32 to vector<16xi32>
        %gather3A_602 = tpu.vector_load_idx %arg9[%get3A_83, %broadcast_in_dim3A_601] : memref<500x56xf32, #tpu.memory_space<vmem>>[vector<16xi32>, vector<16xi32>], vector<16xf32>,
        %mul3A_603 = arith.mulf %gather3A_126, %gather3A_602 : vector<16xf32>
        %add3A_604 = arith.addf %add3A_599, %mul3A_603 : vector<16xf32>
        %broadcast_in_dim3A_605 = arith.constant 47 : i32
        %broadcast_in_dim3A_606 = vector.broadcast %broadcast_in_dim3A_605 : i32 to vector<16xi32>
        %gather3A_607 = tpu.vector_load_idx %arg9[%get3A_83, %broadcast_in_dim3A_606] : memref<500x56xf32, #tpu.memory_space<vmem>>[vector<16xi32>, vector<16xi32>], vector<16xf32>,
        %mul3A_608 = arith.mulf %gather3A_131, %gather3A_607 : vector<16xf32>
        %add3A_609 = arith.addf %add3A_604, %mul3A_608 : vector<16xf32>
        %broadcast_in_dim3A_610 = arith.constant 7 : i32
        %broadcast_in_dim3A_611 = vector.broadcast %broadcast_in_dim3A_610 : i32 to vector<16xi32>
        %gather3A_612 = tpu.vector_load_idx %arg10[%get3A_83, %broadcast_in_dim3A_611] : memref<500x16xf32, #tpu.memory_space<vmem>>[vector<16xi32>, vector<16xi32>], vector<16xf32>,
        %add3A_613 = arith.addf %add3A_609, %gather3A_612 : vector<16xf32>
        %mul3A_614 = arith.mulf %div3A_368, %add3A_613 : vector<16xf32>
        %broadcast_in_dim3A_615 = arith.constant 7 : i32
        %broadcast_in_dim3A_616 = vector.broadcast %broadcast_in_dim3A_615 : i32 to vector<16xi32>
        tpu.vector_store_idx %arg15[%add3A_80, %broadcast_in_dim3A_616], %mul3A_614 : memref<128x16xf32, #tpu.memory_space<vmem>>[vector<16xi32>, vector<16xi32>], vector<16xf32>,
        %broadcast_in_dim3A_617 = arith.constant 28 : i32
        %broadcast_in_dim3A_618 = vector.broadcast %broadcast_in_dim3A_617 : i32 to vector<16xi32>
        %gather3A_619 = tpu.vector_load_idx %arg9[%get3A_83, %broadcast_in_dim3A_618] : memref<500x56xf32, #tpu.memory_space<vmem>>[vector<16xi32>, vector<16xi32>], vector<16xf32>,
        %mul3A_620 = arith.mulf %gather3A_111, %gather3A_619 : vector<16xf32>
        %broadcast_in_dim3A_621 = arith.constant 33 : i32
        %broadcast_in_dim3A_622 = vector.broadcast %broadcast_in_dim3A_621 : i32 to vector<16xi32>
        %gather3A_623 = tpu.vector_load_idx %arg9[%get3A_83, %broadcast_in_dim3A_622] : memref<500x56xf32, #tpu.memory_space<vmem>>[vector<16xi32>, vector<16xi32>], vector<16xf32>,
        %mul3A_624 = arith.mulf %gather3A_116, %gather3A_623 : vector<16xf32>
        %add3A_625 = arith.addf %mul3A_620, %mul3A_624 : vector<16xf32>
        %broadcast_in_dim3A_626 = arith.constant 38 : i32
        %broadcast_in_dim3A_627 = vector.broadcast %broadcast_in_dim3A_626 : i32 to vector<16xi32>
        %gather3A_628 = tpu.vector_load_idx %arg9[%get3A_83, %broadcast_in_dim3A_627] : memref<500x56xf32, #tpu.memory_space<vmem>>[vector<16xi32>, vector<16xi32>], vector<16xf32>,
        %mul3A_629 = arith.mulf %gather3A_121, %gather3A_628 : vector<16xf32>
        %add3A_630 = arith.addf %add3A_625, %mul3A_629 : vector<16xf32>
        %broadcast_in_dim3A_631 = arith.constant 43 : i32
        %broadcast_in_dim3A_632 = vector.broadcast %broadcast_in_dim3A_631 : i32 to vector<16xi32>
        %gather3A_633 = tpu.vector_load_idx %arg9[%get3A_83, %broadcast_in_dim3A_632] : memref<500x56xf32, #tpu.memory_space<vmem>>[vector<16xi32>, vector<16xi32>], vector<16xf32>,
        %mul3A_634 = arith.mulf %gather3A_126, %gather3A_633 : vector<16xf32>
        %add3A_635 = arith.addf %add3A_630, %mul3A_634 : vector<16xf32>
        %broadcast_in_dim3A_636 = arith.constant 48 : i32
        %broadcast_in_dim3A_637 = vector.broadcast %broadcast_in_dim3A_636 : i32 to vector<16xi32>
        %gather3A_638 = tpu.vector_load_idx %arg9[%get3A_83, %broadcast_in_dim3A_637] : memref<500x56xf32, #tpu.memory_space<vmem>>[vector<16xi32>, vector<16xi32>], vector<16xf32>,
        %mul3A_639 = arith.mulf %gather3A_131, %gather3A_638 : vector<16xf32>
        %add3A_640 = arith.addf %add3A_635, %mul3A_639 : vector<16xf32>
        %broadcast_in_dim3A_641 = arith.constant 8 : i32
        %broadcast_in_dim3A_642 = vector.broadcast %broadcast_in_dim3A_641 : i32 to vector<16xi32>
        %gather3A_643 = tpu.vector_load_idx %arg10[%get3A_83, %broadcast_in_dim3A_642] : memref<500x16xf32, #tpu.memory_space<vmem>>[vector<16xi32>, vector<16xi32>], vector<16xf32>,
        %add3A_644 = arith.addf %add3A_640, %gather3A_643 : vector<16xf32>
        %mul3A_645 = arith.mulf %div3A_368, %add3A_644 : vector<16xf32>
        %broadcast_in_dim3A_646 = arith.constant 8 : i32
        %broadcast_in_dim3A_647 = vector.broadcast %broadcast_in_dim3A_646 : i32 to vector<16xi32>
        tpu.vector_store_idx %arg15[%add3A_80, %broadcast_in_dim3A_647], %mul3A_645 : memref<128x16xf32, #tpu.memory_space<vmem>>[vector<16xi32>, vector<16xi32>], vector<16xf32>,
        %broadcast_in_dim3A_648 = arith.constant 29 : i32
        %broadcast_in_dim3A_649 = vector.broadcast %broadcast_in_dim3A_648 : i32 to vector<16xi32>
        %gather3A_650 = tpu.vector_load_idx %arg9[%get3A_83, %broadcast_in_dim3A_649] : memref<500x56xf32, #tpu.memory_space<vmem>>[vector<16xi32>, vector<16xi32>], vector<16xf32>,
        %mul3A_651 = arith.mulf %gather3A_111, %gather3A_650 : vector<16xf32>
        %broadcast_in_dim3A_652 = arith.constant 34 : i32
        %broadcast_in_dim3A_653 = vector.broadcast %broadcast_in_dim3A_652 : i32 to vector<16xi32>
        %gather3A_654 = tpu.vector_load_idx %arg9[%get3A_83, %broadcast_in_dim3A_653] : memref<500x56xf32, #tpu.memory_space<vmem>>[vector<16xi32>, vector<16xi32>], vector<16xf32>,
        %mul3A_655 = arith.mulf %gather3A_116, %gather3A_654 : vector<16xf32>
        %add3A_656 = arith.addf %mul3A_651, %mul3A_655 : vector<16xf32>
        %broadcast_in_dim3A_657 = arith.constant 39 : i32
        %broadcast_in_dim3A_658 = vector.broadcast %broadcast_in_dim3A_657 : i32 to vector<16xi32>
        %gather3A_659 = tpu.vector_load_idx %arg9[%get3A_83, %broadcast_in_dim3A_658] : memref<500x56xf32, #tpu.memory_space<vmem>>[vector<16xi32>, vector<16xi32>], vector<16xf32>,
        %mul3A_660 = arith.mulf %gather3A_121, %gather3A_659 : vector<16xf32>
        %add3A_661 = arith.addf %add3A_656, %mul3A_660 : vector<16xf32>
        %broadcast_in_dim3A_662 = arith.constant 44 : i32
        %broadcast_in_dim3A_663 = vector.broadcast %broadcast_in_dim3A_662 : i32 to vector<16xi32>
        %gather3A_664 = tpu.vector_load_idx %arg9[%get3A_83, %broadcast_in_dim3A_663] : memref<500x56xf32, #tpu.memory_space<vmem>>[vector<16xi32>, vector<16xi32>], vector<16xf32>,
        %mul3A_665 = arith.mulf %gather3A_126, %gather3A_664 : vector<16xf32>
        %add3A_666 = arith.addf %add3A_661, %mul3A_665 : vector<16xf32>
        %broadcast_in_dim3A_667 = arith.constant 49 : i32
        %broadcast_in_dim3A_668 = vector.broadcast %broadcast_in_dim3A_667 : i32 to vector<16xi32>
        %gather3A_669 = tpu.vector_load_idx %arg9[%get3A_83, %broadcast_in_dim3A_668] : memref<500x56xf32, #tpu.memory_space<vmem>>[vector<16xi32>, vector<16xi32>], vector<16xf32>,
        %mul3A_670 = arith.mulf %gather3A_131, %gather3A_669 : vector<16xf32>
        %add3A_671 = arith.addf %add3A_666, %mul3A_670 : vector<16xf32>
        %broadcast_in_dim3A_672 = arith.constant 9 : i32
        %broadcast_in_dim3A_673 = vector.broadcast %broadcast_in_dim3A_672 : i32 to vector<16xi32>
        %gather3A_674 = tpu.vector_load_idx %arg10[%get3A_83, %broadcast_in_dim3A_673] : memref<500x16xf32, #tpu.memory_space<vmem>>[vector<16xi32>, vector<16xi32>], vector<16xf32>,
        %add3A_675 = arith.addf %add3A_671, %gather3A_674 : vector<16xf32>
        %mul3A_676 = arith.mulf %div3A_368, %add3A_675 : vector<16xf32>
        %broadcast_in_dim3A_677 = arith.constant 9 : i32
        %broadcast_in_dim3A_678 = vector.broadcast %broadcast_in_dim3A_677 : i32 to vector<16xi32>
        tpu.vector_store_idx %arg15[%add3A_80, %broadcast_in_dim3A_678], %mul3A_676 : memref<128x16xf32, #tpu.memory_space<vmem>>[vector<16xi32>, vector<16xi32>], vector<16xf32>,
      }
      %scan3A_75 = arith.constant 8 : i32
      %run_scoped3A = arith.constant 1 : i32
      "tpu.region"() ({
        %run_scoped3A_76 = tpu.sem_alloc : memref<!tpu.dma_semaphore, #tpu.memory_space<semaphore_mem>>
        %dma_start3A_77 = arith.constant 0 : i32
        %dma_start3A_78 = tpu.memref_slice %arg13[%run_scoped3A, %dma_start3A_77] : memref<3x128xi32, #tpu.memory_space<vmem>> -> memref<1x128xi32, #tpu.memory_space<vmem>>
        %dma_start3A_79 = tpu.memref_squeeze %dma_start3A_78 : memref<1x128xi32, #tpu.memory_space<vmem>> -> memref<128xi32, #tpu.memory_space<vmem>>
        %dma_start3A_80 = arith.constant 0 : i32
        %dma_start3A_81 = arith.constant 0 : i32
        %dma_start3A_82 = tpu.memref_slice %arg17[%dma_start3A_80, %dma_start3A_81] : memref<50176x16xf32, #tpu.memory_space<vmem_shared>> -> memref<50176x16xf32, #tpu.memory_space<vmem_shared>>
        tpu.enqueue_indirect_dma source(%arg15 : memref<128x16xf32, #tpu.memory_space<vmem>>) target(%dma_start3A_82 : memref<50176x16xf32, #tpu.memory_space<vmem_shared>>) offsets(%dma_start3A_79 : memref<128xi32, #tpu.memory_space<vmem>>) semaphore(%run_scoped3A_76 : memref<!tpu.dma_semaphore, #tpu.memory_space<semaphore_mem>>) {add = true}
        %dma_wait3A_83 = arith.constant 0 : i32
        %dma_wait3A_84 = tpu.memref_slice %arg13[%run_scoped3A, %dma_wait3A_83] : memref<3x128xi32, #tpu.memory_space<vmem>> -> memref<1x128xi32, #tpu.memory_space<vmem>>
        %dma_wait3A_85 = tpu.memref_squeeze %dma_wait3A_84 : memref<1x128xi32, #tpu.memory_space<vmem>> -> memref<128xi32, #tpu.memory_space<vmem>>
        %dma_wait3A_86 = arith.constant 0 : i32
        %dma_wait3A_87 = arith.constant 0 : i32
        %dma_wait3A_88 = tpu.memref_slice %arg17[%dma_wait3A_86, %dma_wait3A_87] : memref<50176x16xf32, #tpu.memory_space<vmem_shared>> -> memref<50176x16xf32, #tpu.memory_space<vmem_shared>>
        tpu.wait_indirect_dma semaphore(%run_scoped3A_76 : memref<!tpu.dma_semaphore, #tpu.memory_space<semaphore_mem>>) src(%arg15 : memref<128x16xf32, #tpu.memory_space<vmem>>) dst(%dma_wait3A_88 : memref<50176x16xf32, #tpu.memory_space<vmem_shared>>)
        tpu.yield
      }) : () -> ()
    }
    %scan3A_34 = arith.constant 782 : i32
    %barrier3A_35 = arith.constant 0 : index
    tpu.barrier barrier_id(%barrier3A_35)
    %add3A_36 = arith.constant 0 : i32
    %add3A_37 = arith.addi %mul3A_0, %add3A_36 : i32
    "tpu.region"() ({
      %run_scoped3A = tpu.sem_alloc : memref<!tpu.dma_semaphore, #tpu.memory_space<semaphore_mem>>
      %dma_start3A = arith.constant 0 : i32
      %dma_start3A_52 = tpu.memref_slice %arg17[%add3A_37, %dma_start3A] : memref<50176x16xf32, #tpu.memory_space<vmem_shared>> -> memref<392x16xf32, #tpu.memory_space<vmem_shared>>
      %dma_start3A_53 = arith.constant 0 : i32
      %dma_start3A_54 = tpu.memref_slice %arg17[%add3A_37, %dma_start3A_53] : memref<50176x16xf32, #tpu.memory_space<vmem_shared>> -> memref<392x16xf32, #tpu.memory_space<vmem_shared>>
      tpu.enqueue_dma source(%dma_start3A_54 : memref<392x16xf32, #tpu.memory_space<vmem_shared>>) target(%arg16 : memref<392x16xf32, #tpu.memory_space<vmem>>) target_semaphore(%run_scoped3A : memref<!tpu.dma_semaphore, #tpu.memory_space<semaphore_mem>>)
      %dma_wait3A = arith.constant 0 : i32
      %dma_wait3A_55 = tpu.memref_slice %arg17[%add3A_37, %dma_wait3A] : memref<50176x16xf32, #tpu.memory_space<vmem_shared>> -> memref<392x16xf32, #tpu.memory_space<vmem_shared>>
      %dma_wait3A_56 = arith.constant 0 : i32
      %dma_wait3A_57 = tpu.memref_slice %arg17[%add3A_37, %dma_wait3A_56] : memref<50176x16xf32, #tpu.memory_space<vmem_shared>> -> memref<392x16xf32, #tpu.memory_space<vmem_shared>>
      tpu.wait_dma2 semaphore(%run_scoped3A : memref<!tpu.dma_semaphore, #tpu.memory_space<semaphore_mem>>) src(%dma_wait3A_57 : memref<392x16xf32, #tpu.memory_space<vmem_shared>>) dst(%arg16 : memref<392x16xf32, #tpu.memory_space<vmem>>)
      tpu.yield
    }) : () -> ()
    "tpu.region"() ({
      %run_scoped3A = tpu.sem_alloc : memref<!tpu.dma_semaphore, #tpu.memory_space<semaphore_mem>>
      %dma_start3A = arith.constant 0 : i32
      %dma_start3A_52 = tpu.memref_slice %arg8[%arg0, %add3A_37, %dma_start3A] : memref<2x50176x16xf32, #tpu.memory_space<hbm>> -> memref<1x392x16xf32, #tpu.memory_space<hbm>>
      %dma_start3A_53 = tpu.memref_squeeze %dma_start3A_52 : memref<1x392x16xf32, #tpu.memory_space<hbm>> -> memref<392x16xf32, #tpu.memory_space<hbm>>
      %dma_start3A_54 = arith.constant 0 : i32
      %dma_start3A_55 = tpu.memref_slice %arg8[%arg0, %add3A_37, %dma_start3A_54] : memref<2x50176x16xf32, #tpu.memory_space<hbm>> -> memref<1x392x16xf32, #tpu.memory_space<hbm>>
      %dma_start3A_56 = tpu.memref_squeeze %dma_start3A_55 : memref<1x392x16xf32, #tpu.memory_space<hbm>> -> memref<392x16xf32, #tpu.memory_space<hbm>>
      tpu.enqueue_dma source(%arg16 : memref<392x16xf32, #tpu.memory_space<vmem>>) target(%dma_start3A_56 : memref<392x16xf32, #tpu.memory_space<hbm>>) target_semaphore(%run_scoped3A : memref<!tpu.dma_semaphore, #tpu.memory_space<semaphore_mem>>)
      %dma_wait3A = arith.constant 0 : i32
      %dma_wait3A_57 = tpu.memref_slice %arg8[%arg0, %add3A_37, %dma_wait3A] : memref<2x50176x16xf32, #tpu.memory_space<hbm>> -> memref<1x392x16xf32, #tpu.memory_space<hbm>>
      %dma_wait3A_58 = tpu.memref_squeeze %dma_wait3A_57 : memref<1x392x16xf32, #tpu.memory_space<hbm>> -> memref<392x16xf32, #tpu.memory_space<hbm>>
      %dma_wait3A_59 = arith.constant 0 : i32
      %dma_wait3A_60 = tpu.memref_slice %arg8[%arg0, %add3A_37, %dma_wait3A_59] : memref<2x50176x16xf32, #tpu.memory_space<hbm>> -> memref<1x392x16xf32, #tpu.memory_space<hbm>>
      %dma_wait3A_61 = tpu.memref_squeeze %dma_wait3A_60 : memref<1x392x16xf32, #tpu.memory_space<hbm>> -> memref<392x16xf32, #tpu.memory_space<hbm>>
      tpu.wait_dma2 semaphore(%run_scoped3A : memref<!tpu.dma_semaphore, #tpu.memory_space<semaphore_mem>>) src(%arg16 : memref<392x16xf32, #tpu.memory_space<vmem>>) dst(%dma_wait3A_61 : memref<392x16xf32, #tpu.memory_space<hbm>>)
      tpu.yield
    }) : () -> ()
    %add3A_38 = arith.constant 392 : i32
    %add3A_39 = arith.addi %mul3A_0, %add3A_38 : i32
    "tpu.region"() ({
      %run_scoped3A = tpu.sem_alloc : memref<!tpu.dma_semaphore, #tpu.memory_space<semaphore_mem>>
      %dma_start3A = arith.constant 0 : i32
      %dma_start3A_52 = tpu.memref_slice %arg17[%add3A_39, %dma_start3A] : memref<50176x16xf32, #tpu.memory_space<vmem_shared>> -> memref<392x16xf32, #tpu.memory_space<vmem_shared>>
      %dma_start3A_53 = arith.constant 0 : i32
      %dma_start3A_54 = tpu.memref_slice %arg17[%add3A_39, %dma_start3A_53] : memref<50176x16xf32, #tpu.memory_space<vmem_shared>> -> memref<392x16xf32, #tpu.memory_space<vmem_shared>>
      tpu.enqueue_dma source(%dma_start3A_54 : memref<392x16xf32, #tpu.memory_space<vmem_shared>>) target(%arg16 : memref<392x16xf32, #tpu.memory_space<vmem>>) target_semaphore(%run_scoped3A : memref<!tpu.dma_semaphore, #tpu.memory_space<semaphore_mem>>)
      %dma_wait3A = arith.constant 0 : i32
      %dma_wait3A_55 = tpu.memref_slice %arg17[%add3A_39, %dma_wait3A] : memref<50176x16xf32, #tpu.memory_space<vmem_shared>> -> memref<392x16xf32, #tpu.memory_space<vmem_shared>>
      %dma_wait3A_56 = arith.constant 0 : i32
      %dma_wait3A_57 = tpu.memref_slice %arg17[%add3A_39, %dma_wait3A_56] : memref<50176x16xf32, #tpu.memory_space<vmem_shared>> -> memref<392x16xf32, #tpu.memory_space<vmem_shared>>
      tpu.wait_dma2 semaphore(%run_scoped3A : memref<!tpu.dma_semaphore, #tpu.memory_space<semaphore_mem>>) src(%dma_wait3A_57 : memref<392x16xf32, #tpu.memory_space<vmem_shared>>) dst(%arg16 : memref<392x16xf32, #tpu.memory_space<vmem>>)
      tpu.yield
    }) : () -> ()
    "tpu.region"() ({
      %run_scoped3A = tpu.sem_alloc : memref<!tpu.dma_semaphore, #tpu.memory_space<semaphore_mem>>
      %dma_start3A = arith.constant 0 : i32
      %dma_start3A_52 = tpu.memref_slice %arg8[%arg0, %add3A_39, %dma_start3A] : memref<2x50176x16xf32, #tpu.memory_space<hbm>> -> memref<1x392x16xf32, #tpu.memory_space<hbm>>
      %dma_start3A_53 = tpu.memref_squeeze %dma_start3A_52 : memref<1x392x16xf32, #tpu.memory_space<hbm>> -> memref<392x16xf32, #tpu.memory_space<hbm>>
      %dma_start3A_54 = arith.constant 0 : i32
      %dma_start3A_55 = tpu.memref_slice %arg8[%arg0, %add3A_39, %dma_start3A_54] : memref<2x50176x16xf32, #tpu.memory_space<hbm>> -> memref<1x392x16xf32, #tpu.memory_space<hbm>>
      %dma_start3A_56 = tpu.memref_squeeze %dma_start3A_55 : memref<1x392x16xf32, #tpu.memory_space<hbm>> -> memref<392x16xf32, #tpu.memory_space<hbm>>
      tpu.enqueue_dma source(%arg16 : memref<392x16xf32, #tpu.memory_space<vmem>>) target(%dma_start3A_56 : memref<392x16xf32, #tpu.memory_space<hbm>>) target_semaphore(%run_scoped3A : memref<!tpu.dma_semaphore, #tpu.memory_space<semaphore_mem>>)
      %dma_wait3A = arith.constant 0 : i32
      %dma_wait3A_57 = tpu.memref_slice %arg8[%arg0, %add3A_39, %dma_wait3A] : memref<2x50176x16xf32, #tpu.memory_space<hbm>> -> memref<1x392x16xf32, #tpu.memory_space<hbm>>
      %dma_wait3A_58 = tpu.memref_squeeze %dma_wait3A_57 : memref<1x392x16xf32, #tpu.memory_space<hbm>> -> memref<392x16xf32, #tpu.memory_space<hbm>>
      %dma_wait3A_59 = arith.constant 0 : i32
      %dma_wait3A_60 = tpu.memref_slice %arg8[%arg0, %add3A_39, %dma_wait3A_59] : memref<2x50176x16xf32, #tpu.memory_space<hbm>> -> memref<1x392x16xf32, #tpu.memory_space<hbm>>
      %dma_wait3A_61 = tpu.memref_squeeze %dma_wait3A_60 : memref<1x392x16xf32, #tpu.memory_space<hbm>> -> memref<392x16xf32, #tpu.memory_space<hbm>>
      tpu.wait_dma2 semaphore(%run_scoped3A : memref<!tpu.dma_semaphore, #tpu.memory_space<semaphore_mem>>) src(%arg16 : memref<392x16xf32, #tpu.memory_space<vmem>>) dst(%dma_wait3A_61 : memref<392x16xf32, #tpu.memory_space<hbm>>)
      tpu.yield
    }) : () -> ()
    %add3A_40 = arith.constant 784 : i32
    %add3A_41 = arith.addi %mul3A_0, %add3A_40 : i32
    "tpu.region"() ({
      %run_scoped3A = tpu.sem_alloc : memref<!tpu.dma_semaphore, #tpu.memory_space<semaphore_mem>>
      %dma_start3A = arith.constant 0 : i32
      %dma_start3A_52 = tpu.memref_slice %arg17[%add3A_41, %dma_start3A] : memref<50176x16xf32, #tpu.memory_space<vmem_shared>> -> memref<392x16xf32, #tpu.memory_space<vmem_shared>>
      %dma_start3A_53 = arith.constant 0 : i32
      %dma_start3A_54 = tpu.memref_slice %arg17[%add3A_41, %dma_start3A_53] : memref<50176x16xf32, #tpu.memory_space<vmem_shared>> -> memref<392x16xf32, #tpu.memory_space<vmem_shared>>
      tpu.enqueue_dma source(%dma_start3A_54 : memref<392x16xf32, #tpu.memory_space<vmem_shared>>) target(%arg16 : memref<392x16xf32, #tpu.memory_space<vmem>>) target_semaphore(%run_scoped3A : memref<!tpu.dma_semaphore, #tpu.memory_space<semaphore_mem>>)
      %dma_wait3A = arith.constant 0 : i32
      %dma_wait3A_55 = tpu.memref_slice %arg17[%add3A_41, %dma_wait3A] : memref<50176x16xf32, #tpu.memory_space<vmem_shared>> -> memref<392x16xf32, #tpu.memory_space<vmem_shared>>
      %dma_wait3A_56 = arith.constant 0 : i32
      %dma_wait3A_57 = tpu.memref_slice %arg17[%add3A_41, %dma_wait3A_56] : memref<50176x16xf32, #tpu.memory_space<vmem_shared>> -> memref<392x16xf32, #tpu.memory_space<vmem_shared>>
      tpu.wait_dma2 semaphore(%run_scoped3A : memref<!tpu.dma_semaphore, #tpu.memory_space<semaphore_mem>>) src(%dma_wait3A_57 : memref<392x16xf32, #tpu.memory_space<vmem_shared>>) dst(%arg16 : memref<392x16xf32, #tpu.memory_space<vmem>>)
      tpu.yield
    }) : () -> ()
    "tpu.region"() ({
      %run_scoped3A = tpu.sem_alloc : memref<!tpu.dma_semaphore, #tpu.memory_space<semaphore_mem>>
      %dma_start3A = arith.constant 0 : i32
      %dma_start3A_52 = tpu.memref_slice %arg8[%arg0, %add3A_41, %dma_start3A] : memref<2x50176x16xf32, #tpu.memory_space<hbm>> -> memref<1x392x16xf32, #tpu.memory_space<hbm>>
      %dma_start3A_53 = tpu.memref_squeeze %dma_start3A_52 : memref<1x392x16xf32, #tpu.memory_space<hbm>> -> memref<392x16xf32, #tpu.memory_space<hbm>>
      %dma_start3A_54 = arith.constant 0 : i32
      %dma_start3A_55 = tpu.memref_slice %arg8[%arg0, %add3A_41, %dma_start3A_54] : memref<2x50176x16xf32, #tpu.memory_space<hbm>> -> memref<1x392x16xf32, #tpu.memory_space<hbm>>
      %dma_start3A_56 = tpu.memref_squeeze %dma_start3A_55 : memref<1x392x16xf32, #tpu.memory_space<hbm>> -> memref<392x16xf32, #tpu.memory_space<hbm>>
      tpu.enqueue_dma source(%arg16 : memref<392x16xf32, #tpu.memory_space<vmem>>) target(%dma_start3A_56 : memref<392x16xf32, #tpu.memory_space<hbm>>) target_semaphore(%run_scoped3A : memref<!tpu.dma_semaphore, #tpu.memory_space<semaphore_mem>>)
      %dma_wait3A = arith.constant 0 : i32
      %dma_wait3A_57 = tpu.memref_slice %arg8[%arg0, %add3A_41, %dma_wait3A] : memref<2x50176x16xf32, #tpu.memory_space<hbm>> -> memref<1x392x16xf32, #tpu.memory_space<hbm>>
      %dma_wait3A_58 = tpu.memref_squeeze %dma_wait3A_57 : memref<1x392x16xf32, #tpu.memory_space<hbm>> -> memref<392x16xf32, #tpu.memory_space<hbm>>
      %dma_wait3A_59 = arith.constant 0 : i32
      %dma_wait3A_60 = tpu.memref_slice %arg8[%arg0, %add3A_41, %dma_wait3A_59] : memref<2x50176x16xf32, #tpu.memory_space<hbm>> -> memref<1x392x16xf32, #tpu.memory_space<hbm>>
      %dma_wait3A_61 = tpu.memref_squeeze %dma_wait3A_60 : memref<1x392x16xf32, #tpu.memory_space<hbm>> -> memref<392x16xf32, #tpu.memory_space<hbm>>
      tpu.wait_dma2 semaphore(%run_scoped3A : memref<!tpu.dma_semaphore, #tpu.memory_space<semaphore_mem>>) src(%arg16 : memref<392x16xf32, #tpu.memory_space<vmem>>) dst(%dma_wait3A_61 : memref<392x16xf32, #tpu.memory_space<hbm>>)
      tpu.yield
    }) : () -> ()
    %add3A_42 = arith.constant 1176 : i32
    %add3A_43 = arith.addi %mul3A_0, %add3A_42 : i32
    "tpu.region"() ({
      %run_scoped3A = tpu.sem_alloc : memref<!tpu.dma_semaphore, #tpu.memory_space<semaphore_mem>>
      %dma_start3A = arith.constant 0 : i32
      %dma_start3A_52 = tpu.memref_slice %arg17[%add3A_43, %dma_start3A] : memref<50176x16xf32, #tpu.memory_space<vmem_shared>> -> memref<392x16xf32, #tpu.memory_space<vmem_shared>>
      %dma_start3A_53 = arith.constant 0 : i32
      %dma_start3A_54 = tpu.memref_slice %arg17[%add3A_43, %dma_start3A_53] : memref<50176x16xf32, #tpu.memory_space<vmem_shared>> -> memref<392x16xf32, #tpu.memory_space<vmem_shared>>
      tpu.enqueue_dma source(%dma_start3A_54 : memref<392x16xf32, #tpu.memory_space<vmem_shared>>) target(%arg16 : memref<392x16xf32, #tpu.memory_space<vmem>>) target_semaphore(%run_scoped3A : memref<!tpu.dma_semaphore, #tpu.memory_space<semaphore_mem>>)
      %dma_wait3A = arith.constant 0 : i32
      %dma_wait3A_55 = tpu.memref_slice %arg17[%add3A_43, %dma_wait3A] : memref<50176x16xf32, #tpu.memory_space<vmem_shared>> -> memref<392x16xf32, #tpu.memory_space<vmem_shared>>
      %dma_wait3A_56 = arith.constant 0 : i32
      %dma_wait3A_57 = tpu.memref_slice %arg17[%add3A_43, %dma_wait3A_56] : memref<50176x16xf32, #tpu.memory_space<vmem_shared>> -> memref<392x16xf32, #tpu.memory_space<vmem_shared>>
      tpu.wait_dma2 semaphore(%run_scoped3A : memref<!tpu.dma_semaphore, #tpu.memory_space<semaphore_mem>>) src(%dma_wait3A_57 : memref<392x16xf32, #tpu.memory_space<vmem_shared>>) dst(%arg16 : memref<392x16xf32, #tpu.memory_space<vmem>>)
      tpu.yield
    }) : () -> ()
    "tpu.region"() ({
      %run_scoped3A = tpu.sem_alloc : memref<!tpu.dma_semaphore, #tpu.memory_space<semaphore_mem>>
      %dma_start3A = arith.constant 0 : i32
      %dma_start3A_52 = tpu.memref_slice %arg8[%arg0, %add3A_43, %dma_start3A] : memref<2x50176x16xf32, #tpu.memory_space<hbm>> -> memref<1x392x16xf32, #tpu.memory_space<hbm>>
      %dma_start3A_53 = tpu.memref_squeeze %dma_start3A_52 : memref<1x392x16xf32, #tpu.memory_space<hbm>> -> memref<392x16xf32, #tpu.memory_space<hbm>>
      %dma_start3A_54 = arith.constant 0 : i32
      %dma_start3A_55 = tpu.memref_slice %arg8[%arg0, %add3A_43, %dma_start3A_54] : memref<2x50176x16xf32, #tpu.memory_space<hbm>> -> memref<1x392x16xf32, #tpu.memory_space<hbm>>
      %dma_start3A_56 = tpu.memref_squeeze %dma_start3A_55 : memref<1x392x16xf32, #tpu.memory_space<hbm>> -> memref<392x16xf32, #tpu.memory_space<hbm>>
      tpu.enqueue_dma source(%arg16 : memref<392x16xf32, #tpu.memory_space<vmem>>) target(%dma_start3A_56 : memref<392x16xf32, #tpu.memory_space<hbm>>) target_semaphore(%run_scoped3A : memref<!tpu.dma_semaphore, #tpu.memory_space<semaphore_mem>>)
      %dma_wait3A = arith.constant 0 : i32
      %dma_wait3A_57 = tpu.memref_slice %arg8[%arg0, %add3A_43, %dma_wait3A] : memref<2x50176x16xf32, #tpu.memory_space<hbm>> -> memref<1x392x16xf32, #tpu.memory_space<hbm>>
      %dma_wait3A_58 = tpu.memref_squeeze %dma_wait3A_57 : memref<1x392x16xf32, #tpu.memory_space<hbm>> -> memref<392x16xf32, #tpu.memory_space<hbm>>
      %dma_wait3A_59 = arith.constant 0 : i32
      %dma_wait3A_60 = tpu.memref_slice %arg8[%arg0, %add3A_43, %dma_wait3A_59] : memref<2x50176x16xf32, #tpu.memory_space<hbm>> -> memref<1x392x16xf32, #tpu.memory_space<hbm>>
      %dma_wait3A_61 = tpu.memref_squeeze %dma_wait3A_60 : memref<1x392x16xf32, #tpu.memory_space<hbm>> -> memref<392x16xf32, #tpu.memory_space<hbm>>
      tpu.wait_dma2 semaphore(%run_scoped3A : memref<!tpu.dma_semaphore, #tpu.memory_space<semaphore_mem>>) src(%arg16 : memref<392x16xf32, #tpu.memory_space<vmem>>) dst(%dma_wait3A_61 : memref<392x16xf32, #tpu.memory_space<hbm>>)
      tpu.yield
    }) : () -> ()
    %add3A_44 = arith.constant 1568 : i32
    %add3A_45 = arith.addi %mul3A_0, %add3A_44 : i32
    "tpu.region"() ({
      %run_scoped3A = tpu.sem_alloc : memref<!tpu.dma_semaphore, #tpu.memory_space<semaphore_mem>>
      %dma_start3A = arith.constant 0 : i32
      %dma_start3A_52 = tpu.memref_slice %arg17[%add3A_45, %dma_start3A] : memref<50176x16xf32, #tpu.memory_space<vmem_shared>> -> memref<392x16xf32, #tpu.memory_space<vmem_shared>>
      %dma_start3A_53 = arith.constant 0 : i32
      %dma_start3A_54 = tpu.memref_slice %arg17[%add3A_45, %dma_start3A_53] : memref<50176x16xf32, #tpu.memory_space<vmem_shared>> -> memref<392x16xf32, #tpu.memory_space<vmem_shared>>
      tpu.enqueue_dma source(%dma_start3A_54 : memref<392x16xf32, #tpu.memory_space<vmem_shared>>) target(%arg16 : memref<392x16xf32, #tpu.memory_space<vmem>>) target_semaphore(%run_scoped3A : memref<!tpu.dma_semaphore, #tpu.memory_space<semaphore_mem>>)
      %dma_wait3A = arith.constant 0 : i32
      %dma_wait3A_55 = tpu.memref_slice %arg17[%add3A_45, %dma_wait3A] : memref<50176x16xf32, #tpu.memory_space<vmem_shared>> -> memref<392x16xf32, #tpu.memory_space<vmem_shared>>
      %dma_wait3A_56 = arith.constant 0 : i32
      %dma_wait3A_57 = tpu.memref_slice %arg17[%add3A_45, %dma_wait3A_56] : memref<50176x16xf32, #tpu.memory_space<vmem_shared>> -> memref<392x16xf32, #tpu.memory_space<vmem_shared>>
      tpu.wait_dma2 semaphore(%run_scoped3A : memref<!tpu.dma_semaphore, #tpu.memory_space<semaphore_mem>>) src(%dma_wait3A_57 : memref<392x16xf32, #tpu.memory_space<vmem_shared>>) dst(%arg16 : memref<392x16xf32, #tpu.memory_space<vmem>>)
      tpu.yield
    }) : () -> ()
    "tpu.region"() ({
      %run_scoped3A = tpu.sem_alloc : memref<!tpu.dma_semaphore, #tpu.memory_space<semaphore_mem>>
      %dma_start3A = arith.constant 0 : i32
      %dma_start3A_52 = tpu.memref_slice %arg8[%arg0, %add3A_45, %dma_start3A] : memref<2x50176x16xf32, #tpu.memory_space<hbm>> -> memref<1x392x16xf32, #tpu.memory_space<hbm>>
      %dma_start3A_53 = tpu.memref_squeeze %dma_start3A_52 : memref<1x392x16xf32, #tpu.memory_space<hbm>> -> memref<392x16xf32, #tpu.memory_space<hbm>>
      %dma_start3A_54 = arith.constant 0 : i32
      %dma_start3A_55 = tpu.memref_slice %arg8[%arg0, %add3A_45, %dma_start3A_54] : memref<2x50176x16xf32, #tpu.memory_space<hbm>> -> memref<1x392x16xf32, #tpu.memory_space<hbm>>
      %dma_start3A_56 = tpu.memref_squeeze %dma_start3A_55 : memref<1x392x16xf32, #tpu.memory_space<hbm>> -> memref<392x16xf32, #tpu.memory_space<hbm>>
      tpu.enqueue_dma source(%arg16 : memref<392x16xf32, #tpu.memory_space<vmem>>) target(%dma_start3A_56 : memref<392x16xf32, #tpu.memory_space<hbm>>) target_semaphore(%run_scoped3A : memref<!tpu.dma_semaphore, #tpu.memory_space<semaphore_mem>>)
      %dma_wait3A = arith.constant 0 : i32
      %dma_wait3A_57 = tpu.memref_slice %arg8[%arg0, %add3A_45, %dma_wait3A] : memref<2x50176x16xf32, #tpu.memory_space<hbm>> -> memref<1x392x16xf32, #tpu.memory_space<hbm>>
      %dma_wait3A_58 = tpu.memref_squeeze %dma_wait3A_57 : memref<1x392x16xf32, #tpu.memory_space<hbm>> -> memref<392x16xf32, #tpu.memory_space<hbm>>
      %dma_wait3A_59 = arith.constant 0 : i32
      %dma_wait3A_60 = tpu.memref_slice %arg8[%arg0, %add3A_45, %dma_wait3A_59] : memref<2x50176x16xf32, #tpu.memory_space<hbm>> -> memref<1x392x16xf32, #tpu.memory_space<hbm>>
      %dma_wait3A_61 = tpu.memref_squeeze %dma_wait3A_60 : memref<1x392x16xf32, #tpu.memory_space<hbm>> -> memref<392x16xf32, #tpu.memory_space<hbm>>
      tpu.wait_dma2 semaphore(%run_scoped3A : memref<!tpu.dma_semaphore, #tpu.memory_space<semaphore_mem>>) src(%arg16 : memref<392x16xf32, #tpu.memory_space<vmem>>) dst(%dma_wait3A_61 : memref<392x16xf32, #tpu.memory_space<hbm>>)
      tpu.yield
    }) : () -> ()
    %add3A_46 = arith.constant 1960 : i32
    %add3A_47 = arith.addi %mul3A_0, %add3A_46 : i32
    "tpu.region"() ({
      %run_scoped3A = tpu.sem_alloc : memref<!tpu.dma_semaphore, #tpu.memory_space<semaphore_mem>>
      %dma_start3A = arith.constant 0 : i32
      %dma_start3A_52 = tpu.memref_slice %arg17[%add3A_47, %dma_start3A] : memref<50176x16xf32, #tpu.memory_space<vmem_shared>> -> memref<392x16xf32, #tpu.memory_space<vmem_shared>>
      %dma_start3A_53 = arith.constant 0 : i32
      %dma_start3A_54 = tpu.memref_slice %arg17[%add3A_47, %dma_start3A_53] : memref<50176x16xf32, #tpu.memory_space<vmem_shared>> -> memref<392x16xf32, #tpu.memory_space<vmem_shared>>
      tpu.enqueue_dma source(%dma_start3A_54 : memref<392x16xf32, #tpu.memory_space<vmem_shared>>) target(%arg16 : memref<392x16xf32, #tpu.memory_space<vmem>>) target_semaphore(%run_scoped3A : memref<!tpu.dma_semaphore, #tpu.memory_space<semaphore_mem>>)
      %dma_wait3A = arith.constant 0 : i32
      %dma_wait3A_55 = tpu.memref_slice %arg17[%add3A_47, %dma_wait3A] : memref<50176x16xf32, #tpu.memory_space<vmem_shared>> -> memref<392x16xf32, #tpu.memory_space<vmem_shared>>
      %dma_wait3A_56 = arith.constant 0 : i32
      %dma_wait3A_57 = tpu.memref_slice %arg17[%add3A_47, %dma_wait3A_56] : memref<50176x16xf32, #tpu.memory_space<vmem_shared>> -> memref<392x16xf32, #tpu.memory_space<vmem_shared>>
      tpu.wait_dma2 semaphore(%run_scoped3A : memref<!tpu.dma_semaphore, #tpu.memory_space<semaphore_mem>>) src(%dma_wait3A_57 : memref<392x16xf32, #tpu.memory_space<vmem_shared>>) dst(%arg16 : memref<392x16xf32, #tpu.memory_space<vmem>>)
      tpu.yield
    }) : () -> ()
    "tpu.region"() ({
      %run_scoped3A = tpu.sem_alloc : memref<!tpu.dma_semaphore, #tpu.memory_space<semaphore_mem>>
      %dma_start3A = arith.constant 0 : i32
      %dma_start3A_52 = tpu.memref_slice %arg8[%arg0, %add3A_47, %dma_start3A] : memref<2x50176x16xf32, #tpu.memory_space<hbm>> -> memref<1x392x16xf32, #tpu.memory_space<hbm>>
      %dma_start3A_53 = tpu.memref_squeeze %dma_start3A_52 : memref<1x392x16xf32, #tpu.memory_space<hbm>> -> memref<392x16xf32, #tpu.memory_space<hbm>>
      %dma_start3A_54 = arith.constant 0 : i32
      %dma_start3A_55 = tpu.memref_slice %arg8[%arg0, %add3A_47, %dma_start3A_54] : memref<2x50176x16xf32, #tpu.memory_space<hbm>> -> memref<1x392x16xf32, #tpu.memory_space<hbm>>
      %dma_start3A_56 = tpu.memref_squeeze %dma_start3A_55 : memref<1x392x16xf32, #tpu.memory_space<hbm>> -> memref<392x16xf32, #tpu.memory_space<hbm>>
      tpu.enqueue_dma source(%arg16 : memref<392x16xf32, #tpu.memory_space<vmem>>) target(%dma_start3A_56 : memref<392x16xf32, #tpu.memory_space<hbm>>) target_semaphore(%run_scoped3A : memref<!tpu.dma_semaphore, #tpu.memory_space<semaphore_mem>>)
      %dma_wait3A = arith.constant 0 : i32
      %dma_wait3A_57 = tpu.memref_slice %arg8[%arg0, %add3A_47, %dma_wait3A] : memref<2x50176x16xf32, #tpu.memory_space<hbm>> -> memref<1x392x16xf32, #tpu.memory_space<hbm>>
      %dma_wait3A_58 = tpu.memref_squeeze %dma_wait3A_57 : memref<1x392x16xf32, #tpu.memory_space<hbm>> -> memref<392x16xf32, #tpu.memory_space<hbm>>
      %dma_wait3A_59 = arith.constant 0 : i32
      %dma_wait3A_60 = tpu.memref_slice %arg8[%arg0, %add3A_47, %dma_wait3A_59] : memref<2x50176x16xf32, #tpu.memory_space<hbm>> -> memref<1x392x16xf32, #tpu.memory_space<hbm>>
      %dma_wait3A_61 = tpu.memref_squeeze %dma_wait3A_60 : memref<1x392x16xf32, #tpu.memory_space<hbm>> -> memref<392x16xf32, #tpu.memory_space<hbm>>
      tpu.wait_dma2 semaphore(%run_scoped3A : memref<!tpu.dma_semaphore, #tpu.memory_space<semaphore_mem>>) src(%arg16 : memref<392x16xf32, #tpu.memory_space<vmem>>) dst(%dma_wait3A_61 : memref<392x16xf32, #tpu.memory_space<hbm>>)
      tpu.yield
    }) : () -> ()
    %add3A_48 = arith.constant 2352 : i32
    %add3A_49 = arith.addi %mul3A_0, %add3A_48 : i32
    "tpu.region"() ({
      %run_scoped3A = tpu.sem_alloc : memref<!tpu.dma_semaphore, #tpu.memory_space<semaphore_mem>>
      %dma_start3A = arith.constant 0 : i32
      %dma_start3A_52 = tpu.memref_slice %arg17[%add3A_49, %dma_start3A] : memref<50176x16xf32, #tpu.memory_space<vmem_shared>> -> memref<392x16xf32, #tpu.memory_space<vmem_shared>>
      %dma_start3A_53 = arith.constant 0 : i32
      %dma_start3A_54 = tpu.memref_slice %arg17[%add3A_49, %dma_start3A_53] : memref<50176x16xf32, #tpu.memory_space<vmem_shared>> -> memref<392x16xf32, #tpu.memory_space<vmem_shared>>
      tpu.enqueue_dma source(%dma_start3A_54 : memref<392x16xf32, #tpu.memory_space<vmem_shared>>) target(%arg16 : memref<392x16xf32, #tpu.memory_space<vmem>>) target_semaphore(%run_scoped3A : memref<!tpu.dma_semaphore, #tpu.memory_space<semaphore_mem>>)
      %dma_wait3A = arith.constant 0 : i32
      %dma_wait3A_55 = tpu.memref_slice %arg17[%add3A_49, %dma_wait3A] : memref<50176x16xf32, #tpu.memory_space<vmem_shared>> -> memref<392x16xf32, #tpu.memory_space<vmem_shared>>
      %dma_wait3A_56 = arith.constant 0 : i32
      %dma_wait3A_57 = tpu.memref_slice %arg17[%add3A_49, %dma_wait3A_56] : memref<50176x16xf32, #tpu.memory_space<vmem_shared>> -> memref<392x16xf32, #tpu.memory_space<vmem_shared>>
      tpu.wait_dma2 semaphore(%run_scoped3A : memref<!tpu.dma_semaphore, #tpu.memory_space<semaphore_mem>>) src(%dma_wait3A_57 : memref<392x16xf32, #tpu.memory_space<vmem_shared>>) dst(%arg16 : memref<392x16xf32, #tpu.memory_space<vmem>>)
      tpu.yield
    }) : () -> ()
    "tpu.region"() ({
      %run_scoped3A = tpu.sem_alloc : memref<!tpu.dma_semaphore, #tpu.memory_space<semaphore_mem>>
      %dma_start3A = arith.constant 0 : i32
      %dma_start3A_52 = tpu.memref_slice %arg8[%arg0, %add3A_49, %dma_start3A] : memref<2x50176x16xf32, #tpu.memory_space<hbm>> -> memref<1x392x16xf32, #tpu.memory_space<hbm>>
      %dma_start3A_53 = tpu.memref_squeeze %dma_start3A_52 : memref<1x392x16xf32, #tpu.memory_space<hbm>> -> memref<392x16xf32, #tpu.memory_space<hbm>>
      %dma_start3A_54 = arith.constant 0 : i32
      %dma_start3A_55 = tpu.memref_slice %arg8[%arg0, %add3A_49, %dma_start3A_54] : memref<2x50176x16xf32, #tpu.memory_space<hbm>> -> memref<1x392x16xf32, #tpu.memory_space<hbm>>
      %dma_start3A_56 = tpu.memref_squeeze %dma_start3A_55 : memref<1x392x16xf32, #tpu.memory_space<hbm>> -> memref<392x16xf32, #tpu.memory_space<hbm>>
      tpu.enqueue_dma source(%arg16 : memref<392x16xf32, #tpu.memory_space<vmem>>) target(%dma_start3A_56 : memref<392x16xf32, #tpu.memory_space<hbm>>) target_semaphore(%run_scoped3A : memref<!tpu.dma_semaphore, #tpu.memory_space<semaphore_mem>>)
      %dma_wait3A = arith.constant 0 : i32
      %dma_wait3A_57 = tpu.memref_slice %arg8[%arg0, %add3A_49, %dma_wait3A] : memref<2x50176x16xf32, #tpu.memory_space<hbm>> -> memref<1x392x16xf32, #tpu.memory_space<hbm>>
      %dma_wait3A_58 = tpu.memref_squeeze %dma_wait3A_57 : memref<1x392x16xf32, #tpu.memory_space<hbm>> -> memref<392x16xf32, #tpu.memory_space<hbm>>
      %dma_wait3A_59 = arith.constant 0 : i32
      %dma_wait3A_60 = tpu.memref_slice %arg8[%arg0, %add3A_49, %dma_wait3A_59] : memref<2x50176x16xf32, #tpu.memory_space<hbm>> -> memref<1x392x16xf32, #tpu.memory_space<hbm>>
      %dma_wait3A_61 = tpu.memref_squeeze %dma_wait3A_60 : memref<1x392x16xf32, #tpu.memory_space<hbm>> -> memref<392x16xf32, #tpu.memory_space<hbm>>
      tpu.wait_dma2 semaphore(%run_scoped3A : memref<!tpu.dma_semaphore, #tpu.memory_space<semaphore_mem>>) src(%arg16 : memref<392x16xf32, #tpu.memory_space<vmem>>) dst(%dma_wait3A_61 : memref<392x16xf32, #tpu.memory_space<hbm>>)
      tpu.yield
    }) : () -> ()
    %add3A_50 = arith.constant 2744 : i32
    %add3A_51 = arith.addi %mul3A_0, %add3A_50 : i32
    "tpu.region"() ({
      %run_scoped3A = tpu.sem_alloc : memref<!tpu.dma_semaphore, #tpu.memory_space<semaphore_mem>>
      %dma_start3A = arith.constant 0 : i32
      %dma_start3A_52 = tpu.memref_slice %arg17[%add3A_51, %dma_start3A] : memref<50176x16xf32, #tpu.memory_space<vmem_shared>> -> memref<392x16xf32, #tpu.memory_space<vmem_shared>>
      %dma_start3A_53 = arith.constant 0 : i32
      %dma_start3A_54 = tpu.memref_slice %arg17[%add3A_51, %dma_start3A_53] : memref<50176x16xf32, #tpu.memory_space<vmem_shared>> -> memref<392x16xf32, #tpu.memory_space<vmem_shared>>
      tpu.enqueue_dma source(%dma_start3A_54 : memref<392x16xf32, #tpu.memory_space<vmem_shared>>) target(%arg16 : memref<392x16xf32, #tpu.memory_space<vmem>>) target_semaphore(%run_scoped3A : memref<!tpu.dma_semaphore, #tpu.memory_space<semaphore_mem>>)
      %dma_wait3A = arith.constant 0 : i32
      %dma_wait3A_55 = tpu.memref_slice %arg17[%add3A_51, %dma_wait3A] : memref<50176x16xf32, #tpu.memory_space<vmem_shared>> -> memref<392x16xf32, #tpu.memory_space<vmem_shared>>
      %dma_wait3A_56 = arith.constant 0 : i32
      %dma_wait3A_57 = tpu.memref_slice %arg17[%add3A_51, %dma_wait3A_56] : memref<50176x16xf32, #tpu.memory_space<vmem_shared>> -> memref<392x16xf32, #tpu.memory_space<vmem_shared>>
      tpu.wait_dma2 semaphore(%run_scoped3A : memref<!tpu.dma_semaphore, #tpu.memory_space<semaphore_mem>>) src(%dma_wait3A_57 : memref<392x16xf32, #tpu.memory_space<vmem_shared>>) dst(%arg16 : memref<392x16xf32, #tpu.memory_space<vmem>>)
      tpu.yield
    }) : () -> ()
    "tpu.region"() ({
      %run_scoped3A = tpu.sem_alloc : memref<!tpu.dma_semaphore, #tpu.memory_space<semaphore_mem>>
      %dma_start3A = arith.constant 0 : i32
      %dma_start3A_52 = tpu.memref_slice %arg8[%arg0, %add3A_51, %dma_start3A] : memref<2x50176x16xf32, #tpu.memory_space<hbm>> -> memref<1x392x16xf32, #tpu.memory_space<hbm>>
      %dma_start3A_53 = tpu.memref_squeeze %dma_start3A_52 : memref<1x392x16xf32, #tpu.memory_space<hbm>> -> memref<392x16xf32, #tpu.memory_space<hbm>>
      %dma_start3A_54 = arith.constant 0 : i32
      %dma_start3A_55 = tpu.memref_slice %arg8[%arg0, %add3A_51, %dma_start3A_54] : memref<2x50176x16xf32, #tpu.memory_space<hbm>> -> memref<1x392x16xf32, #tpu.memory_space<hbm>>
      %dma_start3A_56 = tpu.memref_squeeze %dma_start3A_55 : memref<1x392x16xf32, #tpu.memory_space<hbm>> -> memref<392x16xf32, #tpu.memory_space<hbm>>
      tpu.enqueue_dma source(%arg16 : memref<392x16xf32, #tpu.memory_space<vmem>>) target(%dma_start3A_56 : memref<392x16xf32, #tpu.memory_space<hbm>>) target_semaphore(%run_scoped3A : memref<!tpu.dma_semaphore, #tpu.memory_space<semaphore_mem>>)
      %dma_wait3A = arith.constant 0 : i32
      %dma_wait3A_57 = tpu.memref_slice %arg8[%arg0, %add3A_51, %dma_wait3A] : memref<2x50176x16xf32, #tpu.memory_space<hbm>> -> memref<1x392x16xf32, #tpu.memory_space<hbm>>
      %dma_wait3A_58 = tpu.memref_squeeze %dma_wait3A_57 : memref<1x392x16xf32, #tpu.memory_space<hbm>> -> memref<392x16xf32, #tpu.memory_space<hbm>>
      %dma_wait3A_59 = arith.constant 0 : i32
      %dma_wait3A_60 = tpu.memref_slice %arg8[%arg0, %add3A_51, %dma_wait3A_59] : memref<2x50176x16xf32, #tpu.memory_space<hbm>> -> memref<1x392x16xf32, #tpu.memory_space<hbm>>
      %dma_wait3A_61 = tpu.memref_squeeze %dma_wait3A_60 : memref<1x392x16xf32, #tpu.memory_space<hbm>> -> memref<392x16xf32, #tpu.memory_space<hbm>>
      tpu.wait_dma2 semaphore(%run_scoped3A : memref<!tpu.dma_semaphore, #tpu.memory_space<semaphore_mem>>) src(%arg16 : memref<392x16xf32, #tpu.memory_space<vmem>>) dst(%dma_wait3A_61 : memref<392x16xf32, #tpu.memory_space<hbm>>)
      tpu.yield
    }) : () -> ()
    return
  }
}

module attributes {stable_mosaic.version = 14 : i64} {
  func.func @_cat_body(%arg0: i32, %arg1: memref<400x16xf32, #tpu.memory_space<vmem>>, %arg2: memref<400x16xf32, #tpu.memory_space<vmem>>, %arg3: memref<400x20xf32, #tpu.memory_space<vmem>>) attributes {dimension_semantics = [#tpu.dimension_semantics<arbitrary>], iteration_bounds = array<i64: 125>, scalar_prefetch = 0 : i64, scratch_operands = 0 : i64, tpu.core_type = #tpu.core_type<tc>, window_params = [{transform_indices = @transform_0, window_bounds = array<i64: 400, 16>}, {transform_indices = @transform_1, window_bounds = array<i64: 400, 16>}, {transform_indices = @transform_2, window_bounds = array<i64: 400, 20>}]} {
    %get3A = arith.constant 0 : index
    %get3A_0 = arith.constant 0 : index
    %get3A_1 = vector.load %arg1[%get3A, %get3A_0] : memref<400x16xf32, #tpu.memory_space<vmem>>, vector<400x10xf32>
    %swap3A = arith.constant 0 : index
    %swap3A_2 = arith.constant 0 : index
    %swap3A_3 = vector.load %arg3[%swap3A, %swap3A_2] : memref<400x20xf32, #tpu.memory_space<vmem>>, vector<400x10xf32>
    tpu.vector_store %arg3[%swap3A, %swap3A_2], %get3A_1 {strides = array<i32>} : memref<400x20xf32, #tpu.memory_space<vmem>>, vector<400x10xf32>,
    %get3A_4 = arith.constant 0 : index
    %get3A_5 = arith.constant 0 : index
    %get3A_6 = vector.load %arg2[%get3A_4, %get3A_5] : memref<400x16xf32, #tpu.memory_space<vmem>>, vector<400x10xf32>
    %swap3A_7 = arith.constant 0 : index
    %swap3A_8 = arith.constant 10 : index
    %swap3A_9 = vector.load %arg3[%swap3A_7, %swap3A_8] : memref<400x20xf32, #tpu.memory_space<vmem>>, vector<400x10xf32>
    tpu.vector_store %arg3[%swap3A_7, %swap3A_8], %get3A_6 {strides = array<i32>} : memref<400x20xf32, #tpu.memory_space<vmem>>, vector<400x10xf32>,
    return
  }
  func.func @transform_0(%arg0: i32) -> (i32, i32) {
    %c0_i32 = arith.constant 0 : i32
    %c0_i32_0 = arith.constant 0 : i32
    return %arg0, %c0_i32 : i32, i32
  }
  func.func @transform_1(%arg0: i32) -> (i32, i32) {
    %c0_i32 = arith.constant 0 : i32
    %c0_i32_0 = arith.constant 0 : i32
    return %arg0, %c0_i32 : i32, i32
  }
  func.func @transform_2(%arg0: i32) -> (i32, i32) {
    %c0_i32 = arith.constant 0 : i32
    %c0_i32_0 = arith.constant 0 : i32
    return %arg0, %c0_i32 : i32, i32
  }
}

</mosaic_0001>

<sc_bundles>
// kernel: kernel.4.cloned.1.call-start
scs
__scs_entry_jumppad:
0x0: {  	(pc) =	sbr.rel $0x88, $3  }
0x1: {  	(tag) =	ssettag $0x0;
	lr =	simm.s32 $0x1  }
0x2: {  	[smem:$0x3F9A] =	sst lr;
	_ =	strace $0xD0000000  }
0x3: {  	_ = 	snop  }
0x4: {  	_ = 	snop  }
0x5: {  	_ = 	snop  }
0x6: {  	_ = 	snop  }
0x7: {  	_ = 	snop  }
__scs_overlays_trampoline_lowered:
0x8: {  	[smem:$0x3FA9] =	sst s0  }
0x9: {  	[smem:$0x3FAA] =	sst s1  }
0xa: {  	[smem:$0x3FAB] =	sst s2  }
0xb: {  	[smem:$0x3FAC] =	sst s3  }
0xc: {  	[smem:$0x3FAD] =	sst s4  }
0xd: {  	[smem:$0x3FAE] =	sst s5  }
0xe: {  	[smem:$0x3FAF] =	sst s6  }
0xf: {  	[smem:$0x3FB0] =	sst s7  }
0x10: {  	[smem:$0x3FB1] =	sst s8  }
0x11: {  	[smem:$0x3FB2] =	sst s9;
	s0 =	simm.s32 @!p0 $0x0  }
0x12: {  	s1 =	sld [smem:$0x3F98];
	s0 =	simm.s32 @p0 $0x1  }
0x13: {  	[smem:$0x3FB3] =	sst s0;
	s0 =	simm.s32 @!p1 $0x0  }
0x14: {  	s2 =	sld [smem:$0x3F97];
	s0 =	simm.s32 @p1 $0x1  }
0x15: {  	[smem:$0x3FB4] =	sst s0;
	s0 =	simm.s32 @!p2 $0x0  }
0x16: {  	s3 =	sld [smem:$0x3FDB];
	s0 =	simm.s32 @p2 $0x1  }
0x17: {  	s4 =	simm.s32 $0x1BF5;
	[smem:$0x3FB6] =	sst s0  }
0x18: {  	s0 =	sld [smem:$0x3F99];
	_ =	swait.ge [sflag:s4], $0x0  }
0x19: {  	s7 =	sld [smem:$0x3F9A]  }
0x1a: {  	s8 =	sadd.s32 $0xFFFFE003, lr  }
0x1b: {  	s9 =	sadd.s32 $0xFFFFFEF7, lr;
	s5 =	simm.s32 $0xFFFFFFFF;
	p2 =	slt.u32 s8, $0xFFFFF086  }
0x1c: {  	p1 =	slt.u32 s9, $0xF7A;
	s5 =	simm.s32 @!p2 $0x0  }
0x1d: {  	s5 =	simm.s32 @p1 $0x1;
	p0 =	seq.s32 s7, s2  }
0x1e: {  	s7 =	smul.u32 @!p0 $0xF7A, s2;
	p2 =	seq.s32 @!p0 s5, $0x0  }
0x1f: {  	s9 =	smul.u32 $0xF7A, s1;
	s8 =	simm.s32 @!p0 $0x1BF5;
	p2 =	por !p2, p0  }
0x20: {  	[sflag:s8] =	ssyncset.s32 @!p0 $0xFFFFF086;
	s6 =	sadd.s32 @!p0 s3, s7;
	s7 =	simm.s32 @!p0 $0x108  }
0x21: {  	s3 =	sadd.s32 s3, s9;
	s6 =	sadd.s32 @!p0 $0x88, s6;
	s7 =	simm.s32 @p2 $0x1082  }
0x22: {  	[simem:s7], [sflag:s8] =	dma.local @!p0 [hbm:s6], $0xF7A  }
0x23: {  	s9 =	sor.u32 $0xD0000000, s2;
	s6 =	simm.s32 $0x108;
	_ =	swait.ge @!p0 [sflag:s8], $0x0  }
0x24: {  	s3 =	sadd.s32 $0x88, s3;
	s6 =	simm.s32 @!p1 $0x1082;
	[sflag:s4] =	ssyncset.s32 $0xFFFFF086  }
0x25: {  	[simem:s6], [sflag:s4] =	dma.local [hbm:s3], $0xF7A  }
0x26: {  	[smem:$0x3F9A] =	sst s1;
	(tag) =	ssettag s2;
	_ =	strace s9  }
0x27: {  	s1 =	sld [smem:$0x3FAA]  }
0x28: {  	s2 =	sld [smem:$0x3FAB]  }
0x29: {  	s4 =	sld [smem:$0x3FAD]  }
0x2a: {  	p0 =	seq.s32 s5, $0x0;
	s5 =	sld [smem:$0x3FAE]  }
0x2b: {  	s6 =	sld [smem:$0x3FAF]  }
0x2c: {  	s7 =	sld [smem:$0x3FB0]  }
0x2d: {  	s3 =	simm.s32 $0x108;
	s8 =	sld [smem:$0x3FB1]  }
0x2e: {  	s3 =	simm.s32 @!p0 $0x1082;
	s9 =	sld [smem:$0x3FB2]  }
0x2f: {  	lr =	sadd.s32 s0, s3;
	s0 =	sld [smem:$0x3FA9]  }
0x30: {  	s3 =	sld [smem:$0x3FAC]  }
0x31: {  	[smem:$0x3FB5] =	sst s10  }
0x32: {  	s10 =	sld [smem:$0x3FB3];
	_ =	sdelay $0x3  }
0x33: {  	p0 =	seq.s32 s10, $0x1;
	s10 =	sld [smem:$0x3FB5];
	_ =	sdelay $0x3  }
0x34: {  	[smem:$0x3FB5] =	sst s10  }
0x35: {  	s10 =	sld [smem:$0x3FB4];
	_ =	sdelay $0x3  }
0x36: {  	p1 =	seq.s32 s10, $0x1;
	s10 =	sld [smem:$0x3FB5];
	_ =	sdelay $0x3  }
0x37: {  	[smem:$0x3FB5] =	sst s10  }
0x38: {  	s10 =	sld [smem:$0x3FB6]  }
0x39: {  	_ = 	snop;
	(pc) =	sbr.ind lr, $3  }
0x3a: {  	_ = 	snop  }
0x3b: {  	_ = 	snop  }
0x3c: {  	p2 =	seq.s32 s10, $0x1;
	s10 =	sld [smem:$0x3FB5]  }
0x3d: {  	_ =	shalt  }
0x3e: {  	_ =	shalt  }
0x3f: {  	_ =	shalt  }
0x40: {  	_ =	shalt  }
0x41: {  	_ =	shalt  }
0x42: {  	_ =	shalt  }
0x43: {  	_ =	shalt  }
0x44: {  	_ =	shalt  }
0x45: {  	_ =	shalt  }
0x46: {  	_ =	shalt  }
0x47: {  	_ =	shalt  }
0x48: {  	_ =	shalt  }
0x49: {  	_ =	shalt  }
0x4a: {  	_ =	shalt  }
0x4b: {  	_ =	shalt  }
0x4c: {  	_ =	shalt  }
0x4d: {  	_ =	shalt  }
0x4e: {  	_ =	shalt  }
0x4f: {  	_ =	shalt  }
0x50: {  	_ =	shalt  }
0x51: {  	_ =	shalt  }
0x52: {  	_ =	shalt  }
0x53: {  	_ =	shalt  }
0x54: {  	_ =	shalt  }
0x55: {  	_ =	shalt  }
0x56: {  	_ =	shalt  }
0x57: {  	_ =	shalt  }
0x58: {  	_ =	shalt  }
0x59: {  	_ =	shalt  }
0x5a: {  	_ =	shalt  }
0x5b: {  	_ =	shalt  }
0x5c: {  	_ =	shalt  }
0x5d: {  	_ =	shalt  }
0x5e: {  	_ =	shalt  }
0x5f: {  	_ =	shalt  }
0x60: {  	_ =	shalt  }
0x61: {  	_ =	shalt  }
0x62: {  	_ =	shalt  }
0x63: {  	_ =	shalt  }
0x64: {  	_ =	shalt  }
0x65: {  	_ =	shalt  }
0x66: {  	_ =	shalt  }
0x67: {  	_ =	shalt  }
0x68: {  	_ =	shalt  }
0x69: {  	_ =	shalt  }
0x6a: {  	_ =	shalt  }
0x6b: {  	_ =	shalt  }
0x6c: {  	_ =	shalt  }
0x6d: {  	_ =	shalt  }
0x6e: {  	_ =	shalt  }
0x6f: {  	_ =	shalt  }
0x70: {  	_ =	shalt  }
0x71: {  	_ =	shalt  }
0x72: {  	_ =	shalt  }
0x73: {  	_ =	shalt  }
0x74: {  	_ =	shalt  }
0x75: {  	_ =	shalt  }
0x76: {  	_ =	shalt  }
0x77: {  	_ =	shalt  }
0x78: {  	_ =	shalt  }
0x79: {  	_ =	shalt  }
0x7a: {  	_ =	shalt  }
0x7b: {  	_ =	shalt  }
0x7c: {  	_ =	shalt  }
0x7d: {  	_ =	shalt  }
0x7e: {  	_ =	shalt  }
0x7f: {  	_ =	shalt  }
0x80: {  	_ =	shalt  }
0x81: {  	_ =	shalt  }
0x82: {  	_ =	shalt  }
0x83: {  	_ =	shalt  }
0x84: {  	_ =	shalt  }
0x85: {  	_ =	shalt  }
0x86: {  	_ =	shalt  }
0x87: {  	_ =	shalt  }
.Lfunc_end0:
.L_simem_size_0:
called_computation_lowered:
.L_overlay_start_0:
0x88: {  	s2 =	sld [smem:$0x3FD9]  }
0x89: {  	s3 =	sld [smem:$0x3FFE];
	_ =	sdelay $0x1  }
0x8a: {  	s1 =	srdreg.scid  }
0x8b: {  	s0 =	sand.u32 $0x1, s1  }
0x8c: {  	s17 =	sshll.u32 s0, $0xA;
	s2 =	sadd.s32 s3, s2  }
0x8d: {  	s2 =	sadd.s32 s2, s17  }
0x8e: {  	[smem:$0x3FC1] =	sst s2  }
0x8f: {  	_ = 	snop  }
0x90: {  	s2 =	sld [smem:$0x3FC3]  }
0x91: {  	s18 =	sld [smem:$0x3FD0];
	(tm) =	ssettm $0x1  }
0x92: {  	s4 =	sld [smem:$0x3FFB];
	_ =	sdelay $0x3  }
0x93: {  	_ =	strace s4  }
0x94: {  	s4 =	sld [smem:$0x3FFC];
	_ =	sdelay $0x3  }
0x95: {  	_ =	strace s4  }
0x96: {  	s4 =	sld [smem:$0x3FFD];
	_ =	sdelay $0x3  }
0x97: {  	_ =	strace s4  }
0x98: {  	_ =	strace $0x8FFFFFFF  }
0x99: {  	s19 =	sld [smem:$0x3FDB];
	_ =	sdelay $0x1  }
0x9a: {  	s5 =	simm.s32 $_scs_section_size  }
0x9b: {  	s6 =	simm.s32 $_size__tile_overlayer_lowered;
	s7 =	simm.s32 $_tile_overlayer_lowered  }
0x9c: {  	s22 =	simm.s32 $0x1BFF;
	s21 =	sshll.u32 s7, $0x1;
	s4 =	sadd.s32 s5, s19  }
0x9d: {  	s8 =	simm.s32 $0x0;
	s20 =	sshll.u32 s6, $0x1;
	s6 =	sadd.s32 s21, s4  }
0x9e: {  	[timem:s8], [sflag:s22] =	dma.local [hbm:s6], s20  }
0x9f: {  	_ =	swait.ge [sflag:s22], s20  }
0xa0: {  	s5 =	ssub.s32 $0x0, s20;
	[sflag:s22] =	ssyncset.done $0x0  }
0xa1: {  	[sflag:s22] =	ssyncadd.s32 s5;
	_ =	sdelay $0x1  }
0xa2: {  	s23 =	simm.s32 $0x1B8B  }
0xa3: {  	_ =	swait.ge [sflag:s23], $0x1  }
0xa4: {  	[sflag:s23] =	ssyncset.done $0x0  }
0xa5: {  	s25 =	simm.s32 $0x1B8E;
	s24 =	sld [smem:$0x3FFE];
	[sflag:s23] =	ssyncadd.s32 $0xFFFFFFFF  }
0xa6: {  	s26 =	simm.s32 $execute0_lowered;
	[smem:$0x3FD2] =	sst s25  }
0xa7: {  	s6 =	sshll.u32 s26, $0x1;
	_ =	strace $0x80000046;
	[dreg:$0x1] =	wrdreg $0xFFFFFFFF  }
0xa8: {  	s28 =	simm.s32 $_size_execute0_lowered;
	s4 =	sadd.s32 s4, s6;
	[dreg:$0x0] =	wrdreg $0x0  }
0xa9: {  	s6 =	sshll.u32 s28, $0x1;
	[dreg:$0x2] =	wrdreg s4  }
0xaa: {  	[dreg:$0x3] =	wrdreg s6  }
0xab: {  	[dreg:$0x4] =	wrdreg $0xC0  }
0xac: {  	_ =	task [dreg:s8], $0x5FFFF  }
0xad: {  	[dreg:$0x1] =	wrdreg $0xFFFFFFFF  }
0xae: {  	[dreg:$0x0] =	wrdreg $0x60  }
0xaf: {  	[dreg:$0x2] =	wrdreg s24  }
0xb0: {  	[dreg:$0x3] =	wrdreg s18  }
0xb1: {  	[dreg:$0x4] =	wrdreg s2  }
0xb2: {  	[dreg:$0x5] =	wrdreg $0xEF780  }
0xb3: {  	[dreg:$0x6] =	wrdreg $0x9  }
0xb4: {  	_ =	task.clear_ibuf [dreg:s8], $0x7FFFF;
	_ =	strace $0x90000046  }
0xb5: {  	s29 =	simm.s32 $0x9;
	_ =	strace $0x80000048  }
0xb6: {  	_ =	swait.ge [sflag:s29], $0x1  }
0xb7: {  	[sflag:s29] =	ssyncadd.s32 $0xFFFFFFFF  }
0xb8: {  	_ =	strace $0x90000048  }
0xb9: {  	_ =	sfence  }
0xba: {  	s30 =	sld [smem:$0x0];
	_ =	sdelay $0x2  }
0xbb: {  	s31 =	sshll.u32 s1, $0xD;
	s1 =	sshrl.u32 s1, $0x2  }
0xbc: {  	s3 =	sand.u32 $0x4000, s31;
	s1 =	sadd.s32 s1, s30  }
0xbd: {  	s0 =	sor.u32 s3, s0;
	s1 =	sshll.u32 s1, $0x11  }
0xbe: {  	s0 =	sor.u32 s1, s0  }
0xbf: {  	s0 =	sadd.s32 $0x8F2B, s0  }
0xc0: {  	[sflag:s0] =	ssyncadd.remote.s32 $0x1  }
0xc1: {  	_ =	sfence.sel $0xFFFF  }
0xc2: {  	[dreg:$0x0] =	wrdreg $0xFFFFFFFF;
	(pc) =	sbr.abs _section_cstart, $3  }
0xc3: {  	[dreg:$0x1] =	wrdreg $0xFFFFFFFF  }
0xc4: {  	_ =	task.clear_ibuf [dreg:s8], $0x2FFFF;
	_ =	strace $0x9FFFFFFF  }
0xc5: {  	(tm) =	ssettm $0x7FFFFFFF  }
tec
execute0_lowered:
.L_overlay_start_1:
0x0: {  	(tag) =	ssettag $0x1  }
0x1: {  	s1 =	rddreg [dreg:$0x0]  }
0x2: {  	s2 =	rddreg [dreg:$0x1]  }
0x3: {  	s3 =	rddreg [dreg:$0x3]  }
0x4: {  	s0 =	srdreg.scid;
	s16 =	stileid.u32  }
0x5: {  	s28 =	simm.s32 $0x2;
	s29 =	simm.s32 $0x6D60;
	s30 =	simm.s32 $0x8CA0  }
0x6: {  	s31 =	simm.s32 $0xBB80;
	s4 =	sand.u32 $0x1, s0;
	s8 =	smul.u32 $0xC400, s16  }
0x7: {  	s6 =	sadd.s32 $0x94800, s1;
	s0 =	ssub.s32 $0x2, s4;
	s5 =	smul.u32 $0xDAC, s4  }
0x8: {  	s26 =	sshll.u32 s16, $0x4;
	s9 =	smul.u32 $0xC4000, s4;
	s7 =	sshrl.u32 s0, $0x1  }
0x9: {  	s10 =	sadd.s32 $0x4980, s8;
	s11 =	sadd.s32 $0x6200, s8;
	s12 =	sadd.s32 $0x7A80, s8  }
0xa: {  	s23 =	sadd.s32 $0x9300, s8;
	s24 =	sadd.s32 $0xAB80, s8;
	s0 =	ssub.s32 s0, s7  }
0xb: {  	s7 =	smul.u32 $0xA, s4;
	s2 =	sadd.s32 s2, s5;
	s5 =	sadd.s32 $0x3100, s8  }
0xc: {  	s13 =	sadd.s32 s8, s9;
	s17 =	sadd.s32 s9, s10;
	s21 =	sadd.s32 s9, s12  }
0xd: {  	s22 =	sadd.s32 s9, s23;
	s4 =	smul.u32 $0x3E8, s4;
	s23 =	sadd.s32 s23, s3  }
0xe: {  	[dreg:$0x5] =	wrdreg s2;
	s2 =	sadd.s32 $0x1880, s8;
	s13 =	sshrl.u32 s13, $0x3  }
0xf: {  	s15 =	sadd.s32 s9, s5;
	s18 =	sshrl.u32 s17, $0x3;
	s25 =	sshrl.u32 s22, $0x3  }
0x10: {  	s17 =	sadd.s32 s8, s3;
	s22 =	sadd.s32 s12, s3;
	s8 =	simm.s32 $0xBDF8  }
0x11: {  	s14 =	sadd.s32 s9, s2;
	s13 =	sadd.s32 s6, s13;
	v0 =	vmov s7;
	s7 =	ssub.s32 $0xA, s7  }
0x12: {  	s4 =	sadd.s32 s4, s1;
	s14 =	sshrl.u32 s14, $0x3;
	[dreg:$0x6] =	wrdreg s13  }
0x13: {  	s13 =	sshrl.u32 s15, $0x3;
	s15 =	sadd.s32 s9, s11;
	s9 =	sadd.s32 s9, s24  }
0x14: {  	s16 =	sadd.s32 $0x94000, s4;
	s24 =	sadd.s32 s24, s3;
	s4 =	simm.s32 $0xBD78  }
0x15: {  	v4 =	vmov s7;
	s7 =	simm.s32 $0xCEF8;
	s14 =	sadd.s32 s6, s14;
	s13 =	sadd.s32 s6, s13  }
0x16: {  	s19 =	sshrl.u32 s15, $0x3;
	s9 =	sshrl.u32 s9, $0x3;
	[dreg:$0x7] =	wrdreg s14  }
0x17: {  	v26 =	vimm.f32 $0.0e+00;
	s15 =	sadd.s32 $0x93A00, s1;
	[dreg:$0x8] =	wrdreg s13;
	s13 =	sadd.s32 s6, s18  }
0x18: {  	v27 =	vlaneseq.u32;
	v1 =	vand.u32 $0x6, v0;
	v2 =	vand.u32 $0x8, v0;
	s20 =	sadd.s32 s6, s19;
	s14 =	sadd.s32 $0x157E00, s1;
	s18 =	sadd.s32 s2, s3  }
0x19: {  	v6 =	vadd.s32 $0x2, v0;
	v7 =	vadd.s32 $0x3, v0;
	v8 =	vadd.s32 $0x4, v0;
	s19 =	sadd.s32 s5, s3;
	[dreg:$0x9] =	wrdreg s13;
	s13 =	sshrl.u32 s21, $0x3  }
0x1a: {  	v9 =	vadd.s32 $0x5, v0;
	v10 =	vadd.s32 $0x6, v0;
	v11 =	vadd.s32 $0x7, v0;
	s2 =	simm.s32 $0x80;
	[dreg:$0xa] =	wrdreg s20;
	s13 =	sadd.s32 s6, s13  }
0x1b: {  	v14 =	vadd.s32 $0x9, v0;
	v3 =	vor.u32 $0x1, v1;
	v12 =	vor.u32 v1, v2;
	s5 =	simm.s32 $0xBEF8;
	[dreg:$0xb] =	wrdreg s13;
	s13 =	sadd.s32 s6, s25  }
0x1c: {  	v13 =	vand.u32 $0x6, v4;
	v15 =	vand.u32 $0x8, v4;
	v18 =	vadd.s32 $0x2, v4;
	s20 =	sadd.s32 s10, s3;
	s6 =	sadd.s32 s6, s9;
	[dreg:$0xc] =	wrdreg s13  }
0x1d: {  	v19 =	vadd.s32 $0x3, v4;
	v20 =	vadd.s32 $0x4, v4;
	v21 =	vadd.s32 $0x5, v4;
	s21 =	sadd.s32 s11, s3;
	s9 =	simm.s32 $0x0;
	[dreg:$0xd] =	wrdreg s6  }
0x1e: {  	v22 =	vadd.s32 $0x6, v4;
	v23 =	vadd.s32 $0x7, v4;
	v25 =	vadd.s32 $0x9, v4;
	s13 =	simm.s32 $0x0;
	s6 =	sadd.s32 s26, s1;
	s26 =	smax.u32 s0, $0x1  }
0x1f: {  	v5 =	vor.u32 v3, v2;
	v16 =	vor.u32 $0x1, v13;
	v24 =	vor.u32 v13, v15;
	s0 =	simm.s32 $0xD6F8;
	s1 =	simm.s32 $0x187000;
	[smem:$0x7FF] =	sst s13  }
0x20: {  	v12 =	vadd.s32 $0x8, v12;
	v17 =	vor.u32 v16, v15;
	v24 =	vadd.s32 $0x8, v24;
	s25 =	sadd.s32 $0xE00, s6;
	s6 =	simm.s32 $0x1;
	_ =	strace $0x80000047  }
.LBB2_1:
0x21: {  	s10 =	rddreg [dreg:$0x5]  }
0x22: {  	[tilespmem:s13], [sflag:$0x2] =	stream.linear.gather [hbm4b:s10+s13], $0x6D60, $0x38;
	[tilespmem:$0x1B378] =	vst v63  }
0x23: {  	_ =	swait.ge [sflag:s28], $0x6D60  }
0x24: {  	[sflag:s28] =	ssyncset.done $0x0  }
0x25: {  	[sflag:s28] =	ssyncadd.s32 $0xFFFF92A0  }
0x26: {  	[tilespmem:s29], [sflag:$0x2] =	stream.linear.gather [hbm4b:s16+s13], $0x1F40, $0x38;
	[tilespmem:$0x1B378] =	vst v63  }
0x27: {  	_ =	swait.ge [sflag:s28], $0x1F40  }
0x28: {  	[sflag:s28] =	ssyncset.done $0x0  }
0x29: {  	[sflag:s28] =	ssyncadd.s32 $0xFFFFE0C0  }
0x2a: {  	[tilespmem:s30], [sflag:$0x2] =	stream.linear.gather [hbm4b:s15+s13], $0x2EE0, $0x38;
	[tilespmem:$0x1B378] =	vst v63  }
0x2b: {  	_ =	swait.ge [sflag:s28], $0x2EE0  }
0x2c: {  	[sflag:s28] =	ssyncset.done $0x0  }
0x2d: {  	[sflag:s28] =	ssyncadd.s32 $0xFFFFD120  }
0x2e: {  	s12 =	rddreg [dreg:$0x2]  }
0x2f: {  	[tilespmem:s31], [sflag:$0x2] =	stream.linear.gather [hbm4b:s12+s13], $0x1F8, $0x38;
	[tilespmem:$0x1B378] =	vst v63  }
0x30: {  	_ =	swait.ge [sflag:s28], $0x1F8  }
0x31: {  	[sflag:s28] =	ssyncset.done $0x0  }
0x32: {  	s10 =	simm.s32 $0x0;
	[sflag:s28] =	ssyncadd.s32 $0xFFFFFE08  }
.LBB2_2:
0x33: {  	p0 =	sne.s32 s10, $0x61C0  }
.Ltmp0:
0x34: {  	_ = 	snop;
	(pc) =	sbr.rel @p0 .LBB2_2-.Ltmp0, $3  }
0x35: {  	_ =	sdelay $0x1  }
0x36: {  	s11 =	sshra.s32 s10, $0x2  }
0x37: {  	s10 =	sadd.s32 $0x40, s10;
	[tilespmem:s11+$0xD6F8] =	vst v26  }
0x38: {  	s10 =	simm.s32 $0x40;
	s11 =	simm.s32 $0x0  }
.LBB2_4:
0x39: {  	p0 =	sne.s32 s10, $0x1FC0;
	[tilespmem:s11+$0xCEF8] =	vst v26;
	s11 =	smov.u32 s10;
	s10 =	sadd.s32 $0x40, s10  }
.Ltmp1:
0x3a: {  	(pc) =	sbr.rel @p0 .LBB2_4-.Ltmp1, $2  }
0x3b: {  	_ =	sdelay $0x2  }
0x3c: {  	s11 =	sshra.s32 s11, $0x2  }
0x3d: {  	[tilespmem:s11+$0xCEF8] =	vst v26  }
0x3e: {  	[spmem:s17] =	stream.linear.scatter [tilespmem:s0], [sflag:$0x2], $0x1880, $0x38;
	[tilespmem:$0x1B378] =	vst v63  }
0x3f: {  	_ =	swait.ge [sflag:s28], $0x1880  }
0x40: {  	[sflag:s28] =	ssyncset.done $0x0  }
0x41: {  	[sflag:s28] =	ssyncadd.s32 $0xFFFFE780  }
0x42: {  	[spmem:s18] =	stream.linear.scatter [tilespmem:s0], [sflag:$0x2], $0x1880, $0x38;
	[tilespmem:$0x1B378] =	vst v63  }
0x43: {  	_ =	swait.ge [sflag:s28], $0x1880  }
0x44: {  	[sflag:s28] =	ssyncset.done $0x0  }
0x45: {  	[sflag:s28] =	ssyncadd.s32 $0xFFFFE780  }
0x46: {  	[spmem:s19] =	stream.linear.scatter [tilespmem:s0], [sflag:$0x2], $0x1880, $0x38;
	[tilespmem:$0x1B378] =	vst v63  }
0x47: {  	_ =	swait.ge [sflag:s28], $0x1880  }
0x48: {  	[sflag:s28] =	ssyncset.done $0x0  }
0x49: {  	[sflag:s28] =	ssyncadd.s32 $0xFFFFE780  }
0x4a: {  	[spmem:s20] =	stream.linear.scatter [tilespmem:s0], [sflag:$0x2], $0x1880, $0x38;
	[tilespmem:$0x1B378] =	vst v63  }
0x4b: {  	_ =	swait.ge [sflag:s28], $0x1880  }
0x4c: {  	[sflag:s28] =	ssyncset.done $0x0  }
0x4d: {  	[sflag:s28] =	ssyncadd.s32 $0xFFFFE780  }
0x4e: {  	[spmem:s21] =	stream.linear.scatter [tilespmem:s0], [sflag:$0x2], $0x1880, $0x38;
	[tilespmem:$0x1B378] =	vst v63  }
0x4f: {  	_ =	swait.ge [sflag:s28], $0x1880  }
0x50: {  	[sflag:s28] =	ssyncset.done $0x0  }
0x51: {  	[sflag:s28] =	ssyncadd.s32 $0xFFFFE780  }
0x52: {  	[spmem:s22] =	stream.linear.scatter [tilespmem:s0], [sflag:$0x2], $0x1880, $0x38;
	[tilespmem:$0x1B378] =	vst v63  }
0x53: {  	_ =	swait.ge [sflag:s28], $0x1880  }
0x54: {  	[sflag:s28] =	ssyncset.done $0x0  }
0x55: {  	[sflag:s28] =	ssyncadd.s32 $0xFFFFE780  }
0x56: {  	[spmem:s23] =	stream.linear.scatter [tilespmem:s0], [sflag:$0x2], $0x1880, $0x38;
	[tilespmem:$0x1B378] =	vst v63  }
0x57: {  	_ =	swait.ge [sflag:s28], $0x1880  }
0x58: {  	[sflag:s28] =	ssyncset.done $0x0  }
0x59: {  	[sflag:s28] =	ssyncadd.s32 $0xFFFFE780  }
0x5a: {  	[spmem:s24] =	stream.linear.scatter [tilespmem:s0], [sflag:$0x2], $0x1880, $0x38;
	[tilespmem:$0x1B378] =	vst v63  }
0x5b: {  	_ =	swait.ge [sflag:s28], $0x1880  }
0x5c: {  	[sflag:s28] =	ssyncset.done $0x0  }
0x5d: {  	[sflag:s28] =	ssyncadd.s32 $0xFFFFE780  }
0x5e: {  	s10 =	simm.s32 $0x0;
	[bflag:$0x0] =	sbarrier.arrive $0xFFFF  }
.LBB2_6:
0x5f: {  	s11 =	sshll.u32 s10, $0x8  }
0x60: {  	s11 =	sadd.s32 s11, s25  }
0x61: {  	[tilespmem:s4], [sflag:$0x2] =	stream.strided.gather [hbm4b:s11+s2], $0x180, s1, s2, $0x38;
	[tilespmem:$0x1B378] =	vst v63  }
0x62: {  	_ =	swait.ge [sflag:s28], $0x180  }
0x63: {  	[sflag:s28] =	ssyncset.done $0x0  }
0x64: {  	[sflag:s28] =	ssyncadd.s32 $0xFFFFFE80  }
0x65: {  	[tilespmem:s5], [sflag:$0x1] =	stream.indirect.gather [hbm4b:s14+s2], $0x20, s4, s2, $0xb8;
	[tilespmem:$0x1B378] =	vst v63  }
0x66: {  	_ =	swait.ge [sflag:s6], $0x1000  }
0x67: {  	[sflag:s6] =	ssyncset.done $0x0  }
0x68: {  	s12 =	simm.s32 $0x0;
	s11 =	simm.s32 $0xBE78;
	[sflag:s6] =	ssyncadd.s32 $0xFFFFF000  }
.LBB2_7:
0x69: {  	v35 =	vld [tilespmem:s11+$0x0];
	_ =	sdelay $0x3  }
0x6a: {  	v36 =	vor.u32 s12, v27  }
0x6b: {  	v32 =	vshll.u32 v36, $0x5;
	v33 =	vmul.u32 $0x18, v35  }
0x6c: {  	v28 =	vor.u32 v0, v32  }
0x6d: {  	v29 =	vor.u32 v4, v32;
	v30 =	vadd.s32 v2, v33  }
0x6e: {  	v31 =	vor.u32 v1, v30  }
0x6f: {  	v37 =	vadd.s32 v15, v33  }
0x70: {  	v38 =	vor.u32 v13, v37  }
0x71: {  	v34 =	vld.idx.msk [tilespmem:v28+s5+$0x0], $0xffff;
	v28 =	vor.u32 v5, v32  }
0x72: {  	v29 =	vld.idx.msk [tilespmem:v29+s5+$0x0], $0xffff;
	v30 =	vor.u32 v3, v30  }
0x73: {  	v39 =	vor.u32 v17, v32;
	v31 =	vld.idx.msk [tilespmem:v31+s30+$0x0], $0xffff  }
0x74: {  	v40 =	vld.idx.msk [tilespmem:v35+s31+$0x0], $0xffff;
	v37 =	vor.u32 v16, v37  }
0x75: {  	v41 =	vor.u32 v32, v6;
	v42 =	vld.idx.msk [tilespmem:v38+s30+$0x0], $0xffff  }
0x76: {  	v38 =	vld.idx.msk [tilespmem:v28+s5+$0x0], $0xffff;
	v28 =	vadd.s32 v6, v33  }
0x77: {  	v43 =	vor.u32 v32, v18;
	v30 =	vld.idx.msk [tilespmem:v30+s30+$0x0], $0xffff  }
0x78: {  	v44 =	vld.idx.msk [tilespmem:v39+s5+$0x0], $0xffff;
	v45 =	vadd.s32 v18, v33;
	v31 =	vmul.f32 v31, v34  }
0x79: {  	v56 =	vadd.s32 v7, v33;
	v37 =	vld.idx.msk [tilespmem:v37+s30+$0x0], $0xffff  }
0x7a: {  	v46 =	vor.u32 v32, v7;
	v39 =	vld.idx.msk [tilespmem:v41+s5+$0x0], $0xffff;
	v29 =	vmul.f32 v42, v29;
	v31 =	vadd.f32 v31, v40  }
0x7b: {  	v57 =	vor.u32 v32, v19;
	v28 =	vld.idx.msk [tilespmem:v28+s30+$0x0], $0xffff  }
0x7c: {  	v43 =	vld.idx.msk [tilespmem:v43+s5+$0x0], $0xffff;
	v58 =	vadd.s32 v19, v33;
	v30 =	vmul.f32 v30, v38;
	v29 =	vadd.f32 v29, v31  }
0x7d: {  	v47 =	vor.u32 v32, v8;
	v45 =	vld.idx.msk [tilespmem:v45+s30+$0x0], $0xffff  }
0x7e: {  	v60 =	vadd.s32 v8, v33;
	v62 =	vld.idx.msk [tilespmem:v56+s30+$0x0], $0xffff;
	v59 =	vmul.f32 v37, v44;
	v29 =	vadd.f32 v30, v29  }
0x7f: {  	v61 =	vor.u32 v32, v20;
	v40 =	vld.idx.msk [tilespmem:v46+s5+$0x0], $0xffff  }
0x80: {  	v63 =	vadd.s32 v20, v33;
	v42 =	vld.idx.msk [tilespmem:v57+s5+$0x0], $0xffff;
	v28 =	vmul.f32 v28, v39;
	v29 =	vadd.f32 v59, v29  }
0x81: {  	v52 =	vadd.s32 v9, v33;
	v31 =	vld.idx.msk [tilespmem:v58+s30+$0x0], $0xffff  }
0x82: {  	v48 =	vor.u32 v32, v9;
	v41 =	vld.idx.msk [tilespmem:v47+s5+$0x0], $0xffff;
	v28 =	vadd.f32 v28, v29;
	v29 =	vmul.f32 v45, v43  }
0x83: {  	v54 =	vadd.s32 v21, v33;
	v37 =	vld.idx.msk [tilespmem:v60+s30+$0x0], $0xffff  }
0x84: {  	v53 =	vor.u32 v32, v21;
	v44 =	vld.idx.msk [tilespmem:v61+s5+$0x0], $0xffff;
	v46 =	vmul.f32 v62, v40;
	v29 =	vadd.f32 v29, v28  }
0x85: {  	v55 =	vadd.s32 v10, v33;
	v30 =	vld.idx.msk [tilespmem:v63+s30+$0x0], $0xffff  }
0x86: {  	v49 =	vor.u32 v32, v10;
	v31 =	vmul.f32 v31, v42;
	v43 =	vld.idx.msk [tilespmem:v52+s30+$0x0], $0xffff;
	v29 =	vadd.f32 v46, v29  }
0x87: {  	v57 =	vadd.s32 v22, v33;
	v28 =	vld.idx.msk [tilespmem:v48+s5+$0x0], $0xffff  }
0x88: {  	v56 =	vor.u32 v32, v22;
	v47 =	vld.idx.msk [tilespmem:v54+s30+$0x0], $0xffff;
	v37 =	vmul.f32 v37, v41;
	v31 =	vadd.f32 v31, v29  }
0x89: {  	v58 =	vadd.s32 v11, v33;
	v45 =	vld.idx.msk [tilespmem:v53+s5+$0x0], $0xffff  }
0x8a: {  	v50 =	vor.u32 v32, v11;
	v42 =	vld.idx.msk [tilespmem:v55+s30+$0x0], $0xffff;
	v30 =	vmul.f32 v30, v44;
	v31 =	vadd.f32 v37, v31  }
0x8b: {  	v59 =	vor.u32 v32, v23;
	v29 =	vld.idx.msk [tilespmem:v49+s5+$0x0], $0xffff  }
0x8c: {  	v60 =	vadd.s32 v23, v33;
	v48 =	vld.idx.msk [tilespmem:v57+s30+$0x0], $0xffff;
	v43 =	vmul.f32 v43, v28;
	v31 =	vadd.f32 v30, v31  }
0x8d: {  	v62 =	vadd.s32 v12, v33;
	v46 =	vld.idx.msk [tilespmem:v56+s5+$0x0], $0xffff  }
0x8e: {  	v51 =	vor.u32 v32, v12;
	v61 =	vmul.f32 v47, v45;
	v37 =	vld.idx.msk [tilespmem:v58+s30+$0x0], $0xffff;
	v31 =	vadd.f32 v43, v31  }
0x8f: {  	v63 =	vor.u32 v32, v24;
	v30 =	vld.idx.msk [tilespmem:v50+s5+$0x0], $0xffff  }
0x90: {  	v44 =	vld.idx.msk [tilespmem:v59+s5+$0x0], $0xffff;
	v56 =	vadd.s32 v24, v33;
	v42 =	vmul.f32 v42, v29;
	v43 =	vadd.f32 v61, v31  }
0x91: {  	v52 =	vor.u32 v32, v14;
	v49 =	vld.idx.msk [tilespmem:v60+s30+$0x0], $0xffff  }
0x92: {  	v45 =	vld.idx.msk [tilespmem:v62+s30+$0x0], $0xffff;
	v58 =	vadd.s32 v14, v33;
	v57 =	vmul.f32 v48, v46;
	v42 =	vadd.f32 v42, v43  }
0x93: {  	v59 =	vor.u32 v32, v25;
	v31 =	vld.idx.msk [tilespmem:v51+s5+$0x0], $0xffff  }
0x94: {  	v47 =	vld.idx.msk [tilespmem:v63+s5+$0x0], $0xffff;
	v33 =	vadd.s32 v25, v33;
	v37 =	vmul.f32 v37, v30;
	v42 =	vadd.f32 v57, v42  }
0x95: {  	v60 =	vld.idx.msk [tilespmem:v56+s30+$0x0], $0xffff  }
0x96: {  	v32 =	vld.idx.msk [tilespmem:v52+s5+$0x0], $0xffff;
	v61 =	vmul.f32 v49, v44;
	v37 =	vadd.f32 v37, v42  }
0x97: {  	v62 =	vld.idx.msk [tilespmem:v58+s30+$0x0], $0xffff  }
0x98: {  	v63 =	vld.idx.msk [tilespmem:v59+s5+$0x0], $0xffff;
	v45 =	vmul.f32 v45, v31;
	v37 =	vadd.f32 v61, v37  }
0x99: {  	v33 =	vld.idx.msk [tilespmem:v33+s30+$0x0], $0xffff  }
0x9a: {  	v47 =	vmul.f32 v60, v47;
	v37 =	vadd.f32 v45, v37;
	_ =	sdelay $0x1  }
0x9b: {  	v48 =	vmul.f32 v62, v32;
	v37 =	vadd.f32 v47, v37;
	_ =	sdelay $0x1  }
0x9c: {  	v33 =	vmul.f32 v33, v63;
	v37 =	vadd.f32 v48, v37;
	_ =	sdelay $0x1  }
0x9d: {  	v33 =	vadd.f32 v33, v37;
	_ =	sdelay $0x1  }
0x9e: {  	v33 =	vsub.f32 $0.0e+00, v33;
	_ =	sdelay $0x1  }
0x9f: {  	v49 =	vmul.f32 $1.442695020e+00, v33;
	v33 =	vmul.u32 $0x38, v35;
	_ =	sdelay $0x1  }
0xa0: {  	v50 =	vor.u32 $0x5, v33  }
0xa1: {  	(erf) = vpow2.f32 v49  }
0xa2: {  	v51 =	vadd.s32 $0xA, v33;
	_ =	sdelay $0x1  }
0xa3: {  	v53 =	vadd.s32 $0xF, v33;
	v52 =	vld.idx.msk [tilespmem:v33+s13+$0x0], $0xffff  }
0xa4: {  	v37 =	vld.idx.msk [tilespmem:v50+s13+$0x0], $0xffff  }
0xa5: {  	v54 =	vadd.s32 $0x14, v33  }
0xa6: {  	v42 =	vld.idx.msk [tilespmem:v51+s13+$0x0], $0xffff;
	_ =	sdelay $0x1  }
0xa7: {  	v44 =	vld.idx.msk [tilespmem:v53+s13+$0x0], $0xffff  }
0xa8: {  	v55 =	vpop (erf);
	v43 =	vmul.f32 v52, v34;
	v37 =	vmul.f32 v37, v38  }
0xa9: {  	v35 =	vshll.u32 v35, $0x4;
	v45 =	vld.idx.msk [tilespmem:v54+s13+$0x0], $0xffff;
	v46 =	vadd.f32 $1.000000000e+00, v55  }
0xaa: {  	v42 =	vmul.f32 v42, v39;
	v37 =	vadd.f32 v37, v43  }
0xab: {  	(erf) = vrcp.f32 v46  }
0xac: {  	v56 =	vmul.f32 v44, v40;
	v37 =	vadd.f32 v42, v37;
	_ =	sdelay $0x1  }
0xad: {  	v57 =	vld.idx.msk [tilespmem:v35+s29+$0x0], $0xffff;
	v58 =	vmul.f32 v45, v41;
	v37 =	vadd.f32 v56, v37;
	_ =	sdelay $0x1  }
0xae: {  	v37 =	vadd.f32 v58, v37;
	_ =	sdelay $0x1  }
0xaf: {  	v36 =	vshll.u32 v36, $0x4  }
0xb0: {  	v59 =	vor.u32 $0x1, v33;
	v42 =	vadd.f32 v37, v57  }
0xb1: {  	v60 =	vor.u32 $0x6, v33;
	v37 =	vpop (erf)  }
0xb2: {  	v42 =	vmul.f32 v42, v37  }
0xb3: {  	v61 =	vadd.s32 $0xB, v33  }
0xb4: {  	[tilespmem:v36+s7+$0x0] =	vst.idx.msk $0xffff, v42  }
0xb5: {  	v62 =	vadd.s32 $0x10, v33;
	v43 =	vld.idx.msk [tilespmem:v59+s13+$0x0], $0xffff  }
0xb6: {  	v44 =	vld.idx.msk [tilespmem:v60+s13+$0x0], $0xffff  }
0xb7: {  	v63 =	vadd.s32 $0x15, v33  }
0xb8: {  	v45 =	vld.idx.msk [tilespmem:v61+s13+$0x0], $0xffff;
	_ =	sdelay $0x1  }
0xb9: {  	v42 =	vld.idx.msk [tilespmem:v62+s13+$0x0], $0xffff  }
0xba: {  	v48 =	vor.u32 $0x1, v35;
	v43 =	vmul.f32 v43, v34;
	v44 =	vmul.f32 v44, v38  }
0xbb: {  	v46 =	vld.idx.msk [tilespmem:v63+s13+$0x0], $0xffff  }
0xbc: {  	v49 =	vmul.f32 v45, v39;
	v43 =	vadd.f32 v44, v43;
	_ =	sdelay $0x1  }
0xbd: {  	v42 =	vmul.f32 v42, v40;
	v43 =	vadd.f32 v49, v43  }
0xbe: {  	v50 =	vld.idx.msk [tilespmem:v48+s29+$0x0], $0xffff  }
0xbf: {  	v51 =	vmul.f32 v46, v41;
	v42 =	vadd.f32 v42, v43;
	_ =	sdelay $0x1  }
0xc0: {  	v42 =	vadd.f32 v51, v42  }
0xc1: {  	v52 =	vor.u32 $0x1, v36  }
0xc2: {  	v53 =	vor.u32 $0x2, v33;
	v42 =	vadd.f32 v42, v50  }
0xc3: {  	v54 =	vor.u32 $0x7, v33  }
0xc4: {  	v42 =	vmul.f32 v42, v37  }
0xc5: {  	v55 =	vadd.s32 $0xC, v33  }
0xc6: {  	[tilespmem:v52+s7+$0x0] =	vst.idx.msk $0xffff, v42  }
0xc7: {  	v56 =	vadd.s32 $0x11, v33;
	v42 =	vld.idx.msk [tilespmem:v53+s13+$0x0], $0xffff  }
0xc8: {  	v57 =	vld.idx.msk [tilespmem:v54+s13+$0x0], $0xffff  }
0xc9: {  	v58 =	vadd.s32 $0x16, v33  }
0xca: {  	v46 =	vld.idx.msk [tilespmem:v55+s13+$0x0], $0xffff;
	_ =	sdelay $0x1  }
0xcb: {  	v43 =	vld.idx.msk [tilespmem:v56+s13+$0x0], $0xffff  }
0xcc: {  	v59 =	vor.u32 $0x2, v35;
	v42 =	vmul.f32 v42, v34;
	v44 =	vmul.f32 v57, v38  }
0xcd: {  	v45 =	vld.idx.msk [tilespmem:v58+s13+$0x0], $0xffff  }
0xce: {  	v60 =	vmul.f32 v46, v39;
	v42 =	vadd.f32 v44, v42;
	_ =	sdelay $0x1  }
0xcf: {  	v43 =	vmul.f32 v43, v40;
	v42 =	vadd.f32 v60, v42  }
0xd0: {  	v61 =	vld.idx.msk [tilespmem:v59+s29+$0x0], $0xffff  }
0xd1: {  	v62 =	vmul.f32 v45, v41;
	v42 =	vadd.f32 v43, v42;
	_ =	sdelay $0x1  }
0xd2: {  	v42 =	vadd.f32 v62, v42  }
0xd3: {  	v63 =	vor.u32 $0x2, v36  }
0xd4: {  	v48 =	vor.u32 $0x3, v33;
	v42 =	vadd.f32 v42, v61  }
0xd5: {  	v49 =	vadd.s32 $0x8, v33  }
0xd6: {  	v42 =	vmul.f32 v42, v37  }
0xd7: {  	v50 =	vadd.s32 $0xD, v33  }
0xd8: {  	[tilespmem:v63+s7+$0x0] =	vst.idx.msk $0xffff, v42  }
0xd9: {  	v51 =	vadd.s32 $0x12, v33;
	v42 =	vld.idx.msk [tilespmem:v48+s13+$0x0], $0xffff  }
0xda: {  	v52 =	vld.idx.msk [tilespmem:v49+s13+$0x0], $0xffff  }
0xdb: {  	v53 =	vadd.s32 $0x17, v33  }
0xdc: {  	v46 =	vld.idx.msk [tilespmem:v50+s13+$0x0], $0xffff;
	_ =	sdelay $0x1  }
0xdd: {  	v43 =	vld.idx.msk [tilespmem:v51+s13+$0x0], $0xffff  }
0xde: {  	v54 =	vor.u32 $0x3, v35;
	v42 =	vmul.f32 v42, v34;
	v44 =	vmul.f32 v52, v38  }
0xdf: {  	v45 =	vld.idx.msk [tilespmem:v53+s13+$0x0], $0xffff  }
0xe0: {  	v55 =	vmul.f32 v46, v39;
	v42 =	vadd.f32 v44, v42;
	_ =	sdelay $0x1  }
0xe1: {  	v43 =	vmul.f32 v43, v40;
	v42 =	vadd.f32 v55, v42  }
0xe2: {  	v56 =	vld.idx.msk [tilespmem:v54+s29+$0x0], $0xffff  }
0xe3: {  	v57 =	vmul.f32 v45, v41;
	v42 =	vadd.f32 v43, v42;
	_ =	sdelay $0x1  }
0xe4: {  	v42 =	vadd.f32 v57, v42  }
0xe5: {  	v58 =	vor.u32 $0x3, v36  }
0xe6: {  	v59 =	vor.u32 $0x4, v33;
	v42 =	vadd.f32 v42, v56  }
0xe7: {  	v60 =	vadd.s32 $0x9, v33  }
0xe8: {  	v42 =	vmul.f32 v42, v37  }
0xe9: {  	v61 =	vadd.s32 $0xE, v33  }
0xea: {  	[tilespmem:v58+s7+$0x0] =	vst.idx.msk $0xffff, v42  }
0xeb: {  	v62 =	vadd.s32 $0x13, v33;
	v42 =	vld.idx.msk [tilespmem:v59+s13+$0x0], $0xffff  }
0xec: {  	v63 =	vld.idx.msk [tilespmem:v60+s13+$0x0], $0xffff  }
0xed: {  	v48 =	vadd.s32 $0x18, v33  }
0xee: {  	v46 =	vld.idx.msk [tilespmem:v61+s13+$0x0], $0xffff;
	_ =	sdelay $0x1  }
0xef: {  	v43 =	vld.idx.msk [tilespmem:v62+s13+$0x0], $0xffff  }
0xf0: {  	v49 =	vor.u32 $0x4, v35;
	v34 =	vmul.f32 v42, v34;
	v38 =	vmul.f32 v63, v38  }
0xf1: {  	v50 =	vld.idx.msk [tilespmem:v48+s13+$0x0], $0xffff  }
0xf2: {  	v51 =	vmul.f32 v46, v39;
	v34 =	vadd.f32 v38, v34;
	_ =	sdelay $0x1  }
0xf3: {  	v52 =	vmul.f32 v43, v40;
	v34 =	vadd.f32 v51, v34  }
0xf4: {  	v53 =	vld.idx.msk [tilespmem:v49+s29+$0x0], $0xffff  }
0xf5: {  	v54 =	vmul.f32 v50, v41;
	v34 =	vadd.f32 v52, v34;
	_ =	sdelay $0x1  }
0xf6: {  	v34 =	vadd.f32 v54, v34  }
0xf7: {  	v55 =	vor.u32 $0x4, v36  }
0xf8: {  	v56 =	vadd.s32 $0x19, v33;
	v34 =	vadd.f32 v34, v53  }
0xf9: {  	v57 =	vadd.s32 $0x1E, v33  }
0xfa: {  	v34 =	vmul.f32 v34, v37  }
0xfb: {  	v58 =	vadd.s32 $0x23, v33  }
0xfc: {  	[tilespmem:v55+s7+$0x0] =	vst.idx.msk $0xffff, v34  }
0xfd: {  	v59 =	vadd.s32 $0x28, v33;
	v34 =	vld.idx.msk [tilespmem:v56+s13+$0x0], $0xffff  }
0xfe: {  	v60 =	vld.idx.msk [tilespmem:v57+s13+$0x0], $0xffff  }
0xff: {  	v61 =	vadd.s32 $0x2D, v33  }
0x100: {  	v41 =	vld.idx.msk [tilespmem:v58+s13+$0x0], $0xffff;
	_ =	sdelay $0x1  }
0x101: {  	v38 =	vld.idx.msk [tilespmem:v59+s13+$0x0], $0xffff  }
0x102: {  	v62 =	vor.u32 $0x5, v35;
	v34 =	vmul.f32 v34, v28;
	v39 =	vmul.f32 v60, v29  }
0x103: {  	v40 =	vld.idx.msk [tilespmem:v61+s13+$0x0], $0xffff  }
0x104: {  	v63 =	vmul.f32 v41, v30;
	v34 =	vadd.f32 v39, v34;
	_ =	sdelay $0x1  }
0x105: {  	v38 =	vmul.f32 v38, v31;
	v34 =	vadd.f32 v63, v34  }
0x106: {  	v42 =	vld.idx.msk [tilespmem:v62+s29+$0x0], $0xffff  }
0x107: {  	v43 =	vmul.f32 v40, v32;
	v34 =	vadd.f32 v38, v34;
	_ =	sdelay $0x1  }
0x108: {  	v34 =	vadd.f32 v43, v34  }
0x109: {  	v44 =	vor.u32 $0x5, v36  }
0x10a: {  	v45 =	vadd.s32 $0x1A, v33;
	v34 =	vadd.f32 v34, v42  }
0x10b: {  	v46 =	vadd.s32 $0x1F, v33  }
0x10c: {  	v34 =	vmul.f32 v34, v37  }
0x10d: {  	v47 =	vadd.s32 $0x24, v33  }
0x10e: {  	[tilespmem:v44+s7+$0x0] =	vst.idx.msk $0xffff, v34  }
0x10f: {  	v48 =	vadd.s32 $0x29, v33;
	v34 =	vld.idx.msk [tilespmem:v45+s13+$0x0], $0xffff  }
0x110: {  	v49 =	vld.idx.msk [tilespmem:v46+s13+$0x0], $0xffff  }
0x111: {  	v50 =	vadd.s32 $0x2E, v33  }
0x112: {  	v41 =	vld.idx.msk [tilespmem:v47+s13+$0x0], $0xffff;
	_ =	sdelay $0x1  }
0x113: {  	v38 =	vld.idx.msk [tilespmem:v48+s13+$0x0], $0xffff  }
0x114: {  	v51 =	vor.u32 $0x6, v35;
	v34 =	vmul.f32 v34, v28;
	v39 =	vmul.f32 v49, v29  }
0x115: {  	v40 =	vld.idx.msk [tilespmem:v50+s13+$0x0], $0xffff  }
0x116: {  	v52 =	vmul.f32 v41, v30;
	v34 =	vadd.f32 v39, v34;
	_ =	sdelay $0x1  }
0x117: {  	v38 =	vmul.f32 v38, v31;
	v34 =	vadd.f32 v52, v34  }
0x118: {  	v53 =	vld.idx.msk [tilespmem:v51+s29+$0x0], $0xffff  }
0x119: {  	v54 =	vmul.f32 v40, v32;
	v34 =	vadd.f32 v38, v34;
	_ =	sdelay $0x1  }
0x11a: {  	v34 =	vadd.f32 v54, v34  }
0x11b: {  	v55 =	vor.u32 $0x6, v36  }
0x11c: {  	v56 =	vadd.s32 $0x1B, v33;
	v34 =	vadd.f32 v34, v53  }
0x11d: {  	v57 =	vadd.s32 $0x20, v33  }
0x11e: {  	v34 =	vmul.f32 v34, v37  }
0x11f: {  	v58 =	vadd.s32 $0x25, v33  }
0x120: {  	[tilespmem:v55+s7+$0x0] =	vst.idx.msk $0xffff, v34  }
0x121: {  	v59 =	vadd.s32 $0x2A, v33;
	v34 =	vld.idx.msk [tilespmem:v56+s13+$0x0], $0xffff  }
0x122: {  	v60 =	vld.idx.msk [tilespmem:v57+s13+$0x0], $0xffff  }
0x123: {  	v61 =	vadd.s32 $0x2F, v33  }
0x124: {  	v41 =	vld.idx.msk [tilespmem:v58+s13+$0x0], $0xffff;
	_ =	sdelay $0x1  }
0x125: {  	v38 =	vld.idx.msk [tilespmem:v59+s13+$0x0], $0xffff  }
0x126: {  	v62 =	vor.u32 $0x7, v35;
	v34 =	vmul.f32 v34, v28;
	v39 =	vmul.f32 v60, v29  }
0x127: {  	v40 =	vld.idx.msk [tilespmem:v61+s13+$0x0], $0xffff  }
0x128: {  	v63 =	vmul.f32 v41, v30;
	v34 =	vadd.f32 v39, v34;
	_ =	sdelay $0x1  }
0x129: {  	v38 =	vmul.f32 v38, v31;
	v34 =	vadd.f32 v63, v34  }
0x12a: {  	v42 =	vld.idx.msk [tilespmem:v62+s29+$0x0], $0xffff  }
0x12b: {  	v43 =	vmul.f32 v40, v32;
	v34 =	vadd.f32 v38, v34;
	_ =	sdelay $0x1  }
0x12c: {  	v34 =	vadd.f32 v43, v34  }
0x12d: {  	v44 =	vor.u32 $0x7, v36  }
0x12e: {  	v45 =	vadd.s32 $0x1C, v33;
	v34 =	vadd.f32 v34, v42  }
0x12f: {  	v46 =	vadd.s32 $0x21, v33  }
0x130: {  	v34 =	vmul.f32 v34, v37  }
0x131: {  	v47 =	vadd.s32 $0x26, v33  }
0x132: {  	[tilespmem:v44+s7+$0x0] =	vst.idx.msk $0xffff, v34  }
0x133: {  	v48 =	vadd.s32 $0x2B, v33;
	v34 =	vld.idx.msk [tilespmem:v45+s13+$0x0], $0xffff  }
0x134: {  	v49 =	vld.idx.msk [tilespmem:v46+s13+$0x0], $0xffff  }
0x135: {  	v50 =	vadd.s32 $0x30, v33  }
0x136: {  	v41 =	vld.idx.msk [tilespmem:v47+s13+$0x0], $0xffff;
	_ =	sdelay $0x1  }
0x137: {  	v38 =	vld.idx.msk [tilespmem:v48+s13+$0x0], $0xffff  }
0x138: {  	v51 =	vor.u32 $0x8, v35;
	v34 =	vmul.f32 v34, v28;
	v39 =	vmul.f32 v49, v29  }
0x139: {  	v40 =	vld.idx.msk [tilespmem:v50+s13+$0x0], $0xffff  }
0x13a: {  	v52 =	vmul.f32 v41, v30;
	v34 =	vadd.f32 v39, v34;
	_ =	sdelay $0x1  }
0x13b: {  	v38 =	vmul.f32 v38, v31;
	v34 =	vadd.f32 v52, v34  }
0x13c: {  	v53 =	vld.idx.msk [tilespmem:v51+s29+$0x0], $0xffff  }
0x13d: {  	v54 =	vmul.f32 v40, v32;
	v34 =	vadd.f32 v38, v34;
	_ =	sdelay $0x1  }
0x13e: {  	v34 =	vadd.f32 v54, v34  }
0x13f: {  	v55 =	vor.u32 $0x8, v36  }
0x140: {  	v56 =	vadd.s32 $0x1D, v33;
	v34 =	vadd.f32 v34, v53  }
0x141: {  	v57 =	vadd.s32 $0x22, v33  }
0x142: {  	v34 =	vmul.f32 v34, v37  }
0x143: {  	v58 =	vadd.s32 $0x27, v33  }
0x144: {  	[tilespmem:v55+s7+$0x0] =	vst.idx.msk $0xffff, v34  }
0x145: {  	v59 =	vadd.s32 $0x2C, v33;
	v34 =	vld.idx.msk [tilespmem:v56+s13+$0x0], $0xffff  }
0x146: {  	v60 =	vld.idx.msk [tilespmem:v57+s13+$0x0], $0xffff  }
0x147: {  	v33 =	vadd.s32 $0x31, v33  }
0x148: {  	v61 =	vld.idx.msk [tilespmem:v58+s13+$0x0], $0xffff;
	_ =	sdelay $0x1  }
0x149: {  	v38 =	vld.idx.msk [tilespmem:v59+s13+$0x0], $0xffff  }
0x14a: {  	v62 =	vor.u32 $0x9, v35;
	v28 =	vmul.f32 v34, v28;
	v29 =	vmul.f32 v60, v29  }
0x14b: {  	v33 =	vld.idx.msk [tilespmem:v33+s13+$0x0], $0xffff  }
0x14c: {  	v28 =	vadd.f32 v29, v28;
	v29 =	vmul.f32 v61, v30;
	_ =	sdelay $0x1  }
0x14d: {  	v28 =	vadd.f32 v29, v28;
	v29 =	vmul.f32 v38, v31  }
0x14e: {  	v63 =	vld.idx.msk [tilespmem:v62+s29+$0x0], $0xffff  }
0x14f: {  	v28 =	vadd.f32 v29, v28;
	v29 =	vmul.f32 v33, v32;
	_ =	sdelay $0x1  }
0x150: {  	v28 =	vadd.f32 v29, v28  }
0x151: {  	p0 =	sne.s32 s12, $0x70;
	v29 =	vor.u32 $0x9, v36  }
.Ltmp2:
0x152: {  	v28 =	vadd.f32 v28, v63;
	(pc) =	sbr.rel @p0 .LBB2_7-.Ltmp2, $3  }
0x153: {  	_ = 	snop  }
0x154: {  	v28 =	vmul.f32 v28, v37;
	_ =	sdelay $0x1  }
0x155: {  	s11 =	sadd.s32 $0x10, s11;
	s12 =	sadd.s32 $0x10, s12;
	[tilespmem:v29+s7+$0x0] =	vst.idx.msk $0xffff, v28  }
0x156: {  	s10 =	sadd.s32 $0x1, s10  }
0x157: {  	p0 =	sne.s32 s10, $0x30E  }
.Ltmp3:
0x158: {  	_ = 	snop;
	(pc) =	sbr.rel @p0 .LBB2_6-.Ltmp3, $4  }
0x159: {  	[spmem:s3] =	stream.indirect.scatter.add.f32 [tilespmem:s7], [sflag:$0x2], $0x10, s8, s2, $0xb8;
	[tilespmem:$0x1B378] =	vst v63  }
0x15a: {  	_ =	swait.ge [sflag:s28], $0x800  }
0x15b: {  	[sflag:s28] =	ssyncset.done $0x0  }
0x15c: {  	[sflag:s28] =	ssyncadd.s32 $0xFFFFF800  }
0x15d: {  	[bflag:$0x0] =	sbarrier.arrive $0xFFFF  }
0x15e: {  	[tilespmem:s0], [sflag:$0x2] =	stream.linear.gather [spmem:s17], $0x1880, $0x38;
	[tilespmem:$0x1B378] =	vst v63  }
0x15f: {  	_ =	swait.ge [sflag:s28], $0x1880  }
0x160: {  	[sflag:s28] =	ssyncset.done $0x0  }
0x161: {  	s10 =	rddreg [dreg:$0x6];
	[sflag:s28] =	ssyncadd.s32 $0xFFFFE780  }
0x162: {  	[hbm4b:s10+s13] =	stream.linear.scatter [tilespmem:s0], [sflag:$0x2], $0x1880, $0x38;
	[tilespmem:$0x1B378] =	vst v63  }
0x163: {  	_ =	swait.ge [sflag:s28], $0x1880  }
0x164: {  	[sflag:s28] =	ssyncset.done $0x0  }
0x165: {  	[sflag:s28] =	ssyncadd.s32 $0xFFFFE780  }
0x166: {  	[tilespmem:s0], [sflag:$0x2] =	stream.linear.gather [spmem:s18], $0x1880, $0x38;
	[tilespmem:$0x1B378] =	vst v63  }
0x167: {  	_ =	swait.ge [sflag:s28], $0x1880  }
0x168: {  	[sflag:s28] =	ssyncset.done $0x0  }
0x169: {  	s12 =	rddreg [dreg:$0x7];
	[sflag:s28] =	ssyncadd.s32 $0xFFFFE780  }
0x16a: {  	[hbm4b:s12+s13] =	stream.linear.scatter [tilespmem:s0], [sflag:$0x2], $0x1880, $0x38;
	[tilespmem:$0x1B378] =	vst v63  }
0x16b: {  	_ =	swait.ge [sflag:s28], $0x1880  }
0x16c: {  	[sflag:s28] =	ssyncset.done $0x0  }
0x16d: {  	[sflag:s28] =	ssyncadd.s32 $0xFFFFE780  }
0x16e: {  	[tilespmem:s0], [sflag:$0x2] =	stream.linear.gather [spmem:s19], $0x1880, $0x38;
	[tilespmem:$0x1B378] =	vst v63  }
0x16f: {  	_ =	swait.ge [sflag:s28], $0x1880  }
0x170: {  	[sflag:s28] =	ssyncset.done $0x0  }
0x171: {  	s11 =	rddreg [dreg:$0x8];
	[sflag:s28] =	ssyncadd.s32 $0xFFFFE780  }
0x172: {  	[hbm4b:s11+s13] =	stream.linear.scatter [tilespmem:s0], [sflag:$0x2], $0x1880, $0x38;
	[tilespmem:$0x1B378] =	vst v63  }
0x173: {  	_ =	swait.ge [sflag:s28], $0x1880  }
0x174: {  	[sflag:s28] =	ssyncset.done $0x0  }
0x175: {  	[sflag:s28] =	ssyncadd.s32 $0xFFFFE780  }
0x176: {  	[tilespmem:s0], [sflag:$0x2] =	stream.linear.gather [spmem:s20], $0x1880, $0x38;
	[tilespmem:$0x1B378] =	vst v63  }
0x177: {  	_ =	swait.ge [sflag:s28], $0x1880  }
0x178: {  	[sflag:s28] =	ssyncset.done $0x0  }
0x179: {  	s12 =	rddreg [dreg:$0x9];
	[sflag:s28] =	ssyncadd.s32 $0xFFFFE780  }
0x17a: {  	[hbm4b:s12+s13] =	stream.linear.scatter [tilespmem:s0], [sflag:$0x2], $0x1880, $0x38;
	[tilespmem:$0x1B378] =	vst v63  }
0x17b: {  	_ =	swait.ge [sflag:s28], $0x1880  }
0x17c: {  	[sflag:s28] =	ssyncset.done $0x0  }
0x17d: {  	[sflag:s28] =	ssyncadd.s32 $0xFFFFE780  }
0x17e: {  	[tilespmem:s0], [sflag:$0x2] =	stream.linear.gather [spmem:s21], $0x1880, $0x38;
	[tilespmem:$0x1B378] =	vst v63  }
0x17f: {  	_ =	swait.ge [sflag:s28], $0x1880  }
0x180: {  	[sflag:s28] =	ssyncset.done $0x0  }
0x181: {  	s11 =	rddreg [dreg:$0xa];
	[sflag:s28] =	ssyncadd.s32 $0xFFFFE780  }
0x182: {  	[hbm4b:s11+s13] =	stream.linear.scatter [tilespmem:s0], [sflag:$0x2], $0x1880, $0x38;
	[tilespmem:$0x1B378] =	vst v63  }
0x183: {  	_ =	swait.ge [sflag:s28], $0x1880  }
0x184: {  	[sflag:s28] =	ssyncset.done $0x0  }
0x185: {  	[sflag:s28] =	ssyncadd.s32 $0xFFFFE780  }
0x186: {  	[tilespmem:s0], [sflag:$0x2] =	stream.linear.gather [spmem:s22], $0x1880, $0x38;
	[tilespmem:$0x1B378] =	vst v63  }
0x187: {  	_ =	swait.ge [sflag:s28], $0x1880  }
0x188: {  	[sflag:s28] =	ssyncset.done $0x0  }
0x189: {  	s12 =	rddreg [dreg:$0xb];
	[sflag:s28] =	ssyncadd.s32 $0xFFFFE780  }
0x18a: {  	[hbm4b:s12+s13] =	stream.linear.scatter [tilespmem:s0], [sflag:$0x2], $0x1880, $0x38;
	[tilespmem:$0x1B378] =	vst v63  }
0x18b: {  	_ =	swait.ge [sflag:s28], $0x1880  }
0x18c: {  	[sflag:s28] =	ssyncset.done $0x0  }
0x18d: {  	[sflag:s28] =	ssyncadd.s32 $0xFFFFE780  }
0x18e: {  	[tilespmem:s0], [sflag:$0x2] =	stream.linear.gather [spmem:s23], $0x1880, $0x38;
	[tilespmem:$0x1B378] =	vst v63  }
0x18f: {  	_ =	swait.ge [sflag:s28], $0x1880  }
0x190: {  	[sflag:s28] =	ssyncset.done $0x0  }
0x191: {  	s11 =	rddreg [dreg:$0xc];
	[sflag:s28] =	ssyncadd.s32 $0xFFFFE780  }
0x192: {  	[hbm4b:s11+s13] =	stream.linear.scatter [tilespmem:s0], [sflag:$0x2], $0x1880, $0x38;
	[tilespmem:$0x1B378] =	vst v63  }
0x193: {  	_ =	swait.ge [sflag:s28], $0x1880  }
0x194: {  	[sflag:s28] =	ssyncset.done $0x0  }
0x195: {  	[sflag:s28] =	ssyncadd.s32 $0xFFFFE780  }
0x196: {  	[tilespmem:s0], [sflag:$0x2] =	stream.linear.gather [spmem:s24], $0x1880, $0x38;
	[tilespmem:$0x1B378] =	vst v63  }
0x197: {  	s9 =	sadd.s32 $0x1, s9;
	_ =	swait.ge [sflag:s28], $0x1880  }
0x198: {  	p0 =	sne.s32 s9, s26;
	[sflag:s28] =	ssyncset.done $0x0  }
.Ltmp4:
0x199: {  	s12 =	rddreg [dreg:$0xd];
	[sflag:s28] =	ssyncadd.s32 $0xFFFFE780;
	(pc) =	sbr.rel @p0 .LBB2_1-.Ltmp4, $4  }
0x19a: {  	[hbm4b:s12+s13] =	stream.linear.scatter [tilespmem:s0], [sflag:$0x2], $0x1880, $0x38;
	[tilespmem:$0x1B378] =	vst v63  }
0x19b: {  	_ =	swait.ge [sflag:s28], $0x1880  }
0x19c: {  	[sflag:s28] =	ssyncset.done $0x0  }
0x19d: {  	[sflag:s28] =	ssyncadd.s32 $0xFFFFE780  }
0x19e: {  	_ =	sfence.sel $0x180000  }
0x19f: {  	[bflag:$0x0] =	sbarrier.arrive $0xFFFF  }
0x1a0: {  	_ =	strace $0x90000047  }
0x1a1: {  	s0 =	stileid.u32;
	[bflag:$0x2] =	sbarrier.arrive $0xFFFF  }
0x1a2: {  	p0 =	sne.s32 s0, $0x0;
	s0 =	rddreg [dreg:$0x4]  }
0x1a3: {  	s0 =	sadd.s32 @!p0 $0x100000, s0  }
0x1a4: {  	[sflag:s0] =	ssyncadd.tile.s32 @!p0 $0x1;
	_ =	shalt  }
.Lfunc_end2:
_tile_overlayer_lowered:
.L_overlay_start_2:
0x1a5: {  	(tag) =	ssettag $0x2  }
0x1a6: {  	s0 =	rddreg [dreg:$0x0];
	s2 =	stileid.u32  }
0x1a7: {  	s1 =	rddreg [dreg:$0x1];
	p0 =	sne.s32 s2, $0x0  }
0x1a8: {  	s3 =	rddreg [dreg:$0x2];
	[bflag:$0x3] =	sbarrier.arrive $0xFFFF;
	s2 =	simm.s32 @!p0 $0x1C02  }
0x1a9: {  	[timem:s3], [sflag:s2] =	dma.local @!p0 [hbm:s0], s1  }
0x1aa: {  	s0 =	simm.s32 @!p0 $0x2  }
0x1ab: {  	_ =	swait.ge @!p0 [sflag:s0], s1  }
0x1ac: {  	s1 =	ssub.s32 @!p0 $0x0, s1;
	[sflag:s0] =	ssyncset.done @!p0 $0x0  }
0x1ad: {  	[sflag:s0] =	ssyncadd.s32 @!p0 s1  }
0x1ae: {  	[bflag:$0x3] =	sbarrier.arrive $0xFFFF  }
0x1af: {  	_ =	shalt  }

</sc_bundles>
